<compile_context>
chip_gen: v7x
topology: tpu7x:2x2x1
jax: 0.10.2.dev20260603
libtpu: 0.0.44.dev20260713+nightly
codegen_flags: <defaults>
</compile_context>

<pallas_src>
import functools

import jax
import jax.numpy as jnp
from jax import lax
from jax.experimental import pallas as pl
from jax.experimental.pallas import tpu as pltpu
from jax.experimental.pallas import tpu_sc as plsc

_B = 4096
_LX = 50
_LL = 20
_D = 64
_NC, _NS = 2, 16
_NW = _NC * _NS
_CH = 128
_NBUF = 5
_XBLK = _LX // 2
_LBLK = _LL // 2

_XCH = _B * _LX // (_NW * _CH)
_LCH = _B * _LL // (_NW * _CH)


def _gather_phase(idx_hbm, table, out_hbm, idx_v, rows, gsems, wsems, nch, wid):
    pltpu.sync_copy(idx_hbm.at[wid], idx_v.at[pl.ds(0, nch)])
    base = wid * nch * _CH

    def g_start(c, b):
        pltpu.make_async_copy(table.at[idx_v.at[c]], rows.at[b], gsems[b]).start()

    def g_wait(b):
        pltpu.make_async_copy(table.at[idx_v.at[0]], rows.at[b], gsems[b]).wait()

    def w_start(c, b):
        pltpu.make_async_copy(
            rows.at[b], out_hbm.at[pl.ds(base + c * _CH, _CH)], wsems[b]
        ).start()

    def w_wait(b):
        pltpu.make_async_copy(
            rows.at[b], out_hbm.at[pl.ds(base, _CH)], wsems[b]
        ).wait()

    for b in range(_NBUF):
        g_start(b, b)

    ngroups = nch // _NBUF

    def group(g, carry):
        for b in range(_NBUF):
            c = g * _NBUF + b
            g_wait(b)
            w_start(c, b)
            w_wait(b)
            g_start(c + _NBUF, b)
        return carry

    lax.fori_loop(0, ngroups - 1, group, 0)
    for b in range(_NBUF):
        c = (ngroups - 1) * _NBUF + b
        g_wait(b)
        w_start(c, b)
        w_wait(b)


def _sc_gather(xi, li, wtab, ltab):
    mesh = plsc.VectorSubcoreMesh(
        core_axis_name="c", subcore_axis_name="s",
        num_cores=_NC, num_subcores=_NS,
    )

    @functools.partial(
        pl.kernel,
        out_type=[
            jax.ShapeDtypeStruct((_B * _LX, _D), jnp.float32),
            jax.ShapeDtypeStruct((_B * _LL, _D), jnp.float32),
        ],
        mesh=mesh,
        scratch_types=[
            pltpu.VMEM((_XCH, _CH), jnp.int32),
            pltpu.VMEM((_NBUF, _CH, _D), jnp.float32),
        ] + [pltpu.SemaphoreType.DMA] * (2 * _NBUF),
        compiler_params=pltpu.CompilerParams(use_tc_tiling_on_sc=False),
    )
    def run(xi_hbm, li_hbm, wtab_hbm, ltab_hbm, xe_hbm, le_hbm, idx_v, rows, *sems):
        wid = lax.axis_index("s") * _NC + lax.axis_index("c")
        gs, ws = sems[:_NBUF], sems[_NBUF:]
        _gather_phase(xi_hbm, wtab_hbm, xe_hbm, idx_v, rows, gs, ws, _XCH, wid)
        _gather_phase(li_hbm, ltab_hbm, le_hbm, idx_v, rows, gs, ws, _LCH, wid)

    return run(xi, li, wtab, ltab)


def _regroup(v, nblk, bt):
    v = v.reshape(bt // 8, nblk, 8, 128)
    return jnp.concatenate(
        [v[:, j].reshape(bt, 128) for j in range(nblk)], axis=1)


def _mlp_body(xe_ref, le_ref, w1x_ref, w1l_ref, b1_ref, w2_ref, b2_ref,
              w3_ref, b3_ref, out_ref):
    bt = out_ref.shape[0]
    x = _regroup(xe_ref[...], _XBLK, bt)
    l = _regroup(le_ref[...], _LBLK, bt)
    h = jnp.dot(x, w1x_ref[...], preferred_element_type=jnp.float32)
    h = h + jnp.dot(l, w1l_ref[...], preferred_element_type=jnp.float32)
    h = jnp.maximum(h + b1_ref[...], 0.0)
    h = jnp.maximum(
        jnp.dot(h, w2_ref[...], preferred_element_type=jnp.float32) + b2_ref[...], 0.0)
    out_ref[...] = jnp.dot(h, w3_ref[...], preferred_element_type=jnp.float32) + b3_ref[...]


def _mlp(xe, le, w1x, w1l, b1, w2, b2, w3, b3):
    bt = 256
    return pl.pallas_call(
        _mlp_body,
        grid=(_B // bt,),
        in_specs=[
            pl.BlockSpec((bt * _XBLK, 128), lambda i: (i, 0)),
            pl.BlockSpec((bt * _LBLK, 128), lambda i: (i, 0)),
            pl.BlockSpec((_LX * _D, 1024), lambda i: (0, 0)),
            pl.BlockSpec((_LL * _D, 1024), lambda i: (0, 0)),
            pl.BlockSpec((1, 1024), lambda i: (0, 0)),
            pl.BlockSpec((1024, 512), lambda i: (0, 0)),
            pl.BlockSpec((1, 512), lambda i: (0, 0)),
            pl.BlockSpec((512, _LX), lambda i: (0, 0)),
            pl.BlockSpec((1, _LX), lambda i: (0, 0)),
        ],
        out_specs=pl.BlockSpec((bt, _LX), lambda i: (i, 0)),
        out_shape=jax.ShapeDtypeStruct((_B, _LX), jnp.float32),
    )(xe, le, w1x, w1l, b1, w2, b2, w3, b3)


def _tile_order(idx, nblk):
    return idx.reshape(_B // 8, 8, nblk, 2).transpose(0, 2, 1, 3).reshape(-1)


def _prep_body(src_ref, out_ref):
    xt = src_ref[...].T
    out_ref[...] = jnp.concatenate([xt, xt], axis=1)


def _prep(t):
    n = t.shape[0]
    nb = 8192
    tT = t.T
    out = pl.pallas_call(
        _prep_body,
        grid=(n // nb,),
        in_specs=[pl.BlockSpec((_D, nb), lambda i: (0, i))],
        out_specs=pl.BlockSpec((nb, 2 * _D), lambda i: (i, 0)),
        out_shape=jax.ShapeDtypeStruct((n, 2 * _D), jnp.float32),
    )(tT)
    return out.reshape(2 * n, _D)


def kernel(x, lemma, word_emb, lemma_emb, W1, b1, W2, b2, W3, b3):
    xi = (2 * _tile_order(x, _XBLK)).reshape(_NW, _XCH, _CH)
    li = (2 * _tile_order(lemma, _LBLK)).reshape(_NW, _LCH, _CH)
    xe, le = _sc_gather(xi, li, _prep(word_emb), _prep(lemma_emb))
    xe = xe.reshape(_B * _LX // 2, 2 * _D)
    le = le.reshape(_B * _LL // 2, 2 * _D)
    return _mlp(xe, le, W1[: _LX * _D], W1[_LX * _D:], b1.reshape(1, -1),
                W2, b2.reshape(1, -1), W3, b3.reshape(1, -1))

# --- scband reference (transcript-rebuilt; emitter-appended) ---
"""Pipeline reference for scband-lemma-using-net-45122926411987 (READ-ONLY COPY).

The authoritative reference and input builder live on the scoring server;
editing this copy changes nothing except your own understanding.
"""

import jax, jax.numpy as jnp
import numpy as np

B = 4096
MAX_LENGTH = 50
MAX_LEMMA_LENGTH = 20
EMBEDDING_DIM = 64
DICT_SIZE = 1000000
LEMMA_DICT_SIZE = 100000

def setup_inputs(seed: int = 0) -> dict:
    key = jax.random.key(seed)
    ks = jax.random.split(key, 10)
    x = jax.random.randint(ks[0], (B, MAX_LENGTH), 0, DICT_SIZE, dtype=jnp.int64 if jax.config.jax_enable_x64 else jnp.int32).astype(jnp.int32)
    lemma = jax.random.randint(ks[1], (B, MAX_LEMMA_LENGTH), 0, LEMMA_DICT_SIZE).astype(jnp.int32)
    word_emb = jax.random.normal(ks[2], (DICT_SIZE, EMBEDDING_DIM), dtype=jnp.float32) * 0.02
    lemma_emb = jax.random.normal(ks[3], (LEMMA_DICT_SIZE, EMBEDDING_DIM), dtype=jnp.float32) * 0.02
    din = EMBEDDING_DIM * (MAX_LENGTH + MAX_LEMMA_LENGTH)
    W1 = jax.random.normal(ks[4], (din, 1024), dtype=jnp.float32) * 0.02
    b1 = jnp.zeros((1024,), dtype=jnp.float32)
    W2 = jax.random.normal(ks[5], (1024, 512), dtype=jnp.float32) * 0.02
    b2 = jnp.zeros((512,), dtype=jnp.float32)
    W3 = jax.random.normal(ks[6], (512, MAX_LENGTH), dtype=jnp.float32) * 0.02
    b3 = jnp.zeros((MAX_LENGTH,), dtype=jnp.float32)
    return {"x": x, "lemma": lemma, "word_emb": word_emb, "lemma_emb": lemma_emb,
            "W1": W1, "b1": b1, "W2": W2, "b2": b2, "W3": W3, "b3": b3}

def reference(x, lemma, word_emb, lemma_emb, W1, b1, W2, b2, W3, b3):
    # Embedding lookups (dropout is identity in eval mode)
    xe = jnp.take(word_emb, x, axis=0)          # [B, MAX_LENGTH, D]
    le = jnp.take(lemma_emb, lemma, axis=0)     # [B, MAX_LEMMA_LENGTH, D]
    h = jnp.concatenate((xe, le), axis=1)       # [B, ML+MLL, D]
    h = h.reshape(h.shape[0], -1)               # flatten dims 1..2
    h = jax.nn.relu(h @ W1 + b1)
    h = jax.nn.relu(h @ W2 + b2)
    out = h @ W3 + b3
    return out

if __name__ == "__main__":
    import jax
    _d = setup_inputs()
    print(jax.jit(kernel)(*tuple(_d.values())))

</pallas_src>

<mosaic_0001>
#map = affine_map<(d0, d1) -> (0, 0, 0)>
#map1 = affine_map<(d0, d1) -> (0, 0)>
module attributes {stable_mosaic.version = 14 : i64} {
  func.func @run(%arg0: i32, %arg1: i32, %arg2: memref<32x50x128xi32, #tpu.memory_space<hbm>>, %arg3: memref<32x20x128xi32, #tpu.memory_space<hbm>>, %arg4: memref<2000000x64xf32, #tpu.memory_space<hbm>>, %arg5: memref<200000x64xf32, #tpu.memory_space<hbm>>, %arg6: memref<204800x64xf32, #tpu.memory_space<hbm>>, %arg7: memref<81920x64xf32, #tpu.memory_space<hbm>>, %arg8: memref<50x128xi32, #tpu.memory_space<vmem>>, %arg9: memref<5x128x64xf32, #tpu.memory_space<vmem>>, %arg10: memref<!tpu.dma_semaphore, #tpu.memory_space<semaphore_mem>>, %arg11: memref<!tpu.dma_semaphore, #tpu.memory_space<semaphore_mem>>, %arg12: memref<!tpu.dma_semaphore, #tpu.memory_space<semaphore_mem>>, %arg13: memref<!tpu.dma_semaphore, #tpu.memory_space<semaphore_mem>>, %arg14: memref<!tpu.dma_semaphore, #tpu.memory_space<semaphore_mem>>, %arg15: memref<!tpu.dma_semaphore, #tpu.memory_space<semaphore_mem>>, %arg16: memref<!tpu.dma_semaphore, #tpu.memory_space<semaphore_mem>>, %arg17: memref<!tpu.dma_semaphore, #tpu.memory_space<semaphore_mem>>, %arg18: memref<!tpu.dma_semaphore, #tpu.memory_space<semaphore_mem>>, %arg19: memref<!tpu.dma_semaphore, #tpu.memory_space<semaphore_mem>>) attributes {dimension_semantics = [#tpu.dimension_semantics<core_parallel>, #tpu.dimension_semantics<subcore_parallel>], iteration_bounds = array<i64: 2, 16>, scalar_prefetch = 0 : i64, scratch_operands = 12 : i64, tpu.core_type = #tpu.core_type<sc_vector_subcore>, window_params = [{transform_indices = #map}, {transform_indices = #map}, {transform_indices = #map1}, {transform_indices = #map1}, {transform_indices = #map1}, {transform_indices = #map1}]} {
    %mul3A = arith.constant 2 : i32
    %mul3A_0 = arith.muli %arg1, %mul3A : i32
    %add3A = arith.addi %mul3A_0, %arg0 : i32
    "tpu.region"() ({
      %run_scoped3A = tpu.sem_alloc : memref<!tpu.dma_semaphore, #tpu.memory_space<semaphore_mem>>
      %dma_start3A_538 = arith.constant 0 : i32
      %dma_start3A_539 = arith.constant 0 : i32
      %dma_start3A_540 = tpu.memref_slice %arg8[%dma_start3A_538, %dma_start3A_539] : memref<50x128xi32, #tpu.memory_space<vmem>> -> memref<50x128xi32, #tpu.memory_space<vmem>>
      %dma_start3A_541 = arith.constant 0 : i32
      %dma_start3A_542 = arith.constant 0 : i32
      %dma_start3A_543 = tpu.memref_slice %arg2[%add3A, %dma_start3A_541, %dma_start3A_542] : memref<32x50x128xi32, #tpu.memory_space<hbm>> -> memref<1x50x128xi32, #tpu.memory_space<hbm>>
      %dma_start3A_544 = tpu.memref_squeeze %dma_start3A_543 : memref<1x50x128xi32, #tpu.memory_space<hbm>> -> memref<50x128xi32, #tpu.memory_space<hbm>>
      %dma_start3A_545 = arith.constant 0 : i32
      %dma_start3A_546 = arith.constant 0 : i32
      %dma_start3A_547 = tpu.memref_slice %arg8[%dma_start3A_545, %dma_start3A_546] : memref<50x128xi32, #tpu.memory_space<vmem>> -> memref<50x128xi32, #tpu.memory_space<vmem>>
      %dma_start3A_548 = arith.constant 0 : i32
      %dma_start3A_549 = arith.constant 0 : i32
      %dma_start3A_550 = tpu.memref_slice %arg2[%add3A, %dma_start3A_548, %dma_start3A_549] : memref<32x50x128xi32, #tpu.memory_space<hbm>> -> memref<1x50x128xi32, #tpu.memory_space<hbm>>
      %dma_start3A_551 = tpu.memref_squeeze %dma_start3A_550 : memref<1x50x128xi32, #tpu.memory_space<hbm>> -> memref<50x128xi32, #tpu.memory_space<hbm>>
      tpu.enqueue_dma source(%dma_start3A_551 : memref<50x128xi32, #tpu.memory_space<hbm>>) target(%dma_start3A_547 : memref<50x128xi32, #tpu.memory_space<vmem>>) target_semaphore(%run_scoped3A : memref<!tpu.dma_semaphore, #tpu.memory_space<semaphore_mem>>)
      %dma_wait3A_552 = arith.constant 0 : i32
      %dma_wait3A_553 = arith.constant 0 : i32
      %dma_wait3A_554 = tpu.memref_slice %arg8[%dma_wait3A_552, %dma_wait3A_553] : memref<50x128xi32, #tpu.memory_space<vmem>> -> memref<50x128xi32, #tpu.memory_space<vmem>>
      %dma_wait3A_555 = arith.constant 0 : i32
      %dma_wait3A_556 = arith.constant 0 : i32
      %dma_wait3A_557 = tpu.memref_slice %arg2[%add3A, %dma_wait3A_555, %dma_wait3A_556] : memref<32x50x128xi32, #tpu.memory_space<hbm>> -> memref<1x50x128xi32, #tpu.memory_space<hbm>>
      %dma_wait3A_558 = tpu.memref_squeeze %dma_wait3A_557 : memref<1x50x128xi32, #tpu.memory_space<hbm>> -> memref<50x128xi32, #tpu.memory_space<hbm>>
      %dma_wait3A_559 = arith.constant 0 : i32
      %dma_wait3A_560 = arith.constant 0 : i32
      %dma_wait3A_561 = tpu.memref_slice %arg8[%dma_wait3A_559, %dma_wait3A_560] : memref<50x128xi32, #tpu.memory_space<vmem>> -> memref<50x128xi32, #tpu.memory_space<vmem>>
      %dma_wait3A_562 = arith.constant 0 : i32
      %dma_wait3A_563 = arith.constant 0 : i32
      %dma_wait3A_564 = tpu.memref_slice %arg2[%add3A, %dma_wait3A_562, %dma_wait3A_563] : memref<32x50x128xi32, #tpu.memory_space<hbm>> -> memref<1x50x128xi32, #tpu.memory_space<hbm>>
      %dma_wait3A_565 = tpu.memref_squeeze %dma_wait3A_564 : memref<1x50x128xi32, #tpu.memory_space<hbm>> -> memref<50x128xi32, #tpu.memory_space<hbm>>
      tpu.wait_dma2 semaphore(%run_scoped3A : memref<!tpu.dma_semaphore, #tpu.memory_space<semaphore_mem>>) src(%dma_wait3A_565 : memref<50x128xi32, #tpu.memory_space<hbm>>) dst(%dma_wait3A_561 : memref<50x128xi32, #tpu.memory_space<vmem>>)
      tpu.yield
    }) : () -> ()
    %mul3A_1 = arith.constant 50 : i32
    %mul3A_2 = arith.muli %add3A, %mul3A_1 : i32
    %mul3A_3 = arith.constant 128 : i32
    %mul3A_4 = arith.muli %mul3A_2, %mul3A_3 : i32
    %dma_start3A = arith.constant 0 : i32
    %dma_start3A_5 = arith.constant 0 : i32
    %dma_start3A_6 = arith.constant 0 : i32
    %dma_start3A_7 = arith.constant 0 : i32
    %dma_start3A_8 = tpu.memref_slice %arg9[%dma_start3A_5, %dma_start3A_6, %dma_start3A_7] : memref<5x128x64xf32, #tpu.memory_space<vmem>> -> memref<1x128x64xf32, #tpu.memory_space<vmem>>
    %dma_start3A_9 = tpu.memref_squeeze %dma_start3A_8 : memref<1x128x64xf32, #tpu.memory_space<vmem>> -> memref<128x64xf32, #tpu.memory_space<vmem>>
    %dma_start3A_10 = arith.constant 0 : i32
    %dma_start3A_11 = tpu.memref_slice %arg8[%dma_start3A, %dma_start3A_10] : memref<50x128xi32, #tpu.memory_space<vmem>> -> memref<1x128xi32, #tpu.memory_space<vmem>>
    %dma_start3A_12 = tpu.memref_squeeze %dma_start3A_11 : memref<1x128xi32, #tpu.memory_space<vmem>> -> memref<128xi32, #tpu.memory_space<vmem>>
    %dma_start3A_13 = arith.constant 0 : i32
    %dma_start3A_14 = arith.constant 0 : i32
    %dma_start3A_15 = tpu.memref_slice %arg4[%dma_start3A_13, %dma_start3A_14] : memref<2000000x64xf32, #tpu.memory_space<hbm>> -> memref<2000000x64xf32, #tpu.memory_space<hbm>>
    tpu.enqueue_indirect_dma source(%dma_start3A_15 : memref<2000000x64xf32, #tpu.memory_space<hbm>>) target(%dma_start3A_9 : memref<128x64xf32, #tpu.memory_space<vmem>>) offsets(%dma_start3A_12 : memref<128xi32, #tpu.memory_space<vmem>>) semaphore(%arg10 : memref<!tpu.dma_semaphore, #tpu.memory_space<semaphore_mem>>)
    %dma_start3A_16 = arith.constant 1 : i32
    %dma_start3A_17 = arith.constant 1 : i32
    %dma_start3A_18 = arith.constant 0 : i32
    %dma_start3A_19 = arith.constant 0 : i32
    %dma_start3A_20 = tpu.memref_slice %arg9[%dma_start3A_17, %dma_start3A_18, %dma_start3A_19] : memref<5x128x64xf32, #tpu.memory_space<vmem>> -> memref<1x128x64xf32, #tpu.memory_space<vmem>>
    %dma_start3A_21 = tpu.memref_squeeze %dma_start3A_20 : memref<1x128x64xf32, #tpu.memory_space<vmem>> -> memref<128x64xf32, #tpu.memory_space<vmem>>
    %dma_start3A_22 = arith.constant 0 : i32
    %dma_start3A_23 = tpu.memref_slice %arg8[%dma_start3A_16, %dma_start3A_22] : memref<50x128xi32, #tpu.memory_space<vmem>> -> memref<1x128xi32, #tpu.memory_space<vmem>>
    %dma_start3A_24 = tpu.memref_squeeze %dma_start3A_23 : memref<1x128xi32, #tpu.memory_space<vmem>> -> memref<128xi32, #tpu.memory_space<vmem>>
    %dma_start3A_25 = arith.constant 0 : i32
    %dma_start3A_26 = arith.constant 0 : i32
    %dma_start3A_27 = tpu.memref_slice %arg4[%dma_start3A_25, %dma_start3A_26] : memref<2000000x64xf32, #tpu.memory_space<hbm>> -> memref<2000000x64xf32, #tpu.memory_space<hbm>>
    tpu.enqueue_indirect_dma source(%dma_start3A_27 : memref<2000000x64xf32, #tpu.memory_space<hbm>>) target(%dma_start3A_21 : memref<128x64xf32, #tpu.memory_space<vmem>>) offsets(%dma_start3A_24 : memref<128xi32, #tpu.memory_space<vmem>>) semaphore(%arg11 : memref<!tpu.dma_semaphore, #tpu.memory_space<semaphore_mem>>)
    %dma_start3A_28 = arith.constant 2 : i32
    %dma_start3A_29 = arith.constant 2 : i32
    %dma_start3A_30 = arith.constant 0 : i32
    %dma_start3A_31 = arith.constant 0 : i32
    %dma_start3A_32 = tpu.memref_slice %arg9[%dma_start3A_29, %dma_start3A_30, %dma_start3A_31] : memref<5x128x64xf32, #tpu.memory_space<vmem>> -> memref<1x128x64xf32, #tpu.memory_space<vmem>>
    %dma_start3A_33 = tpu.memref_squeeze %dma_start3A_32 : memref<1x128x64xf32, #tpu.memory_space<vmem>> -> memref<128x64xf32, #tpu.memory_space<vmem>>
    %dma_start3A_34 = arith.constant 0 : i32
    %dma_start3A_35 = tpu.memref_slice %arg8[%dma_start3A_28, %dma_start3A_34] : memref<50x128xi32, #tpu.memory_space<vmem>> -> memref<1x128xi32, #tpu.memory_space<vmem>>
    %dma_start3A_36 = tpu.memref_squeeze %dma_start3A_35 : memref<1x128xi32, #tpu.memory_space<vmem>> -> memref<128xi32, #tpu.memory_space<vmem>>
    %dma_start3A_37 = arith.constant 0 : i32
    %dma_start3A_38 = arith.constant 0 : i32
    %dma_start3A_39 = tpu.memref_slice %arg4[%dma_start3A_37, %dma_start3A_38] : memref<2000000x64xf32, #tpu.memory_space<hbm>> -> memref<2000000x64xf32, #tpu.memory_space<hbm>>
    tpu.enqueue_indirect_dma source(%dma_start3A_39 : memref<2000000x64xf32, #tpu.memory_space<hbm>>) target(%dma_start3A_33 : memref<128x64xf32, #tpu.memory_space<vmem>>) offsets(%dma_start3A_36 : memref<128xi32, #tpu.memory_space<vmem>>) semaphore(%arg12 : memref<!tpu.dma_semaphore, #tpu.memory_space<semaphore_mem>>)
    %dma_start3A_40 = arith.constant 3 : i32
    %dma_start3A_41 = arith.constant 3 : i32
    %dma_start3A_42 = arith.constant 0 : i32
    %dma_start3A_43 = arith.constant 0 : i32
    %dma_start3A_44 = tpu.memref_slice %arg9[%dma_start3A_41, %dma_start3A_42, %dma_start3A_43] : memref<5x128x64xf32, #tpu.memory_space<vmem>> -> memref<1x128x64xf32, #tpu.memory_space<vmem>>
    %dma_start3A_45 = tpu.memref_squeeze %dma_start3A_44 : memref<1x128x64xf32, #tpu.memory_space<vmem>> -> memref<128x64xf32, #tpu.memory_space<vmem>>
    %dma_start3A_46 = arith.constant 0 : i32
    %dma_start3A_47 = tpu.memref_slice %arg8[%dma_start3A_40, %dma_start3A_46] : memref<50x128xi32, #tpu.memory_space<vmem>> -> memref<1x128xi32, #tpu.memory_space<vmem>>
    %dma_start3A_48 = tpu.memref_squeeze %dma_start3A_47 : memref<1x128xi32, #tpu.memory_space<vmem>> -> memref<128xi32, #tpu.memory_space<vmem>>
    %dma_start3A_49 = arith.constant 0 : i32
    %dma_start3A_50 = arith.constant 0 : i32
    %dma_start3A_51 = tpu.memref_slice %arg4[%dma_start3A_49, %dma_start3A_50] : memref<2000000x64xf32, #tpu.memory_space<hbm>> -> memref<2000000x64xf32, #tpu.memory_space<hbm>>
    tpu.enqueue_indirect_dma source(%dma_start3A_51 : memref<2000000x64xf32, #tpu.memory_space<hbm>>) target(%dma_start3A_45 : memref<128x64xf32, #tpu.memory_space<vmem>>) offsets(%dma_start3A_48 : memref<128xi32, #tpu.memory_space<vmem>>) semaphore(%arg13 : memref<!tpu.dma_semaphore, #tpu.memory_space<semaphore_mem>>)
    %dma_start3A_52 = arith.constant 4 : i32
    %dma_start3A_53 = arith.constant 4 : i32
    %dma_start3A_54 = arith.constant 0 : i32
    %dma_start3A_55 = arith.constant 0 : i32
    %dma_start3A_56 = tpu.memref_slice %arg9[%dma_start3A_53, %dma_start3A_54, %dma_start3A_55] : memref<5x128x64xf32, #tpu.memory_space<vmem>> -> memref<1x128x64xf32, #tpu.memory_space<vmem>>
    %dma_start3A_57 = tpu.memref_squeeze %dma_start3A_56 : memref<1x128x64xf32, #tpu.memory_space<vmem>> -> memref<128x64xf32, #tpu.memory_space<vmem>>
    %dma_start3A_58 = arith.constant 0 : i32
    %dma_start3A_59 = tpu.memref_slice %arg8[%dma_start3A_52, %dma_start3A_58] : memref<50x128xi32, #tpu.memory_space<vmem>> -> memref<1x128xi32, #tpu.memory_space<vmem>>
    %dma_start3A_60 = tpu.memref_squeeze %dma_start3A_59 : memref<1x128xi32, #tpu.memory_space<vmem>> -> memref<128xi32, #tpu.memory_space<vmem>>
    %dma_start3A_61 = arith.constant 0 : i32
    %dma_start3A_62 = arith.constant 0 : i32
    %dma_start3A_63 = tpu.memref_slice %arg4[%dma_start3A_61, %dma_start3A_62] : memref<2000000x64xf32, #tpu.memory_space<hbm>> -> memref<2000000x64xf32, #tpu.memory_space<hbm>>
    tpu.enqueue_indirect_dma source(%dma_start3A_63 : memref<2000000x64xf32, #tpu.memory_space<hbm>>) target(%dma_start3A_57 : memref<128x64xf32, #tpu.memory_space<vmem>>) offsets(%dma_start3A_60 : memref<128xi32, #tpu.memory_space<vmem>>) semaphore(%arg14 : memref<!tpu.dma_semaphore, #tpu.memory_space<semaphore_mem>>)
    %scan3A = arith.constant 0 : i32
    %scan3A_64 = arith.constant 0 : i32
    %scan3A_65 = arith.constant 9 : i32
    %scan3A_66 = arith.addi %scan3A_64, %scan3A_65 : i32
    %scan3A_67 = arith.constant 1 : i32
    scf.for %scan3A_538 = %scan3A_64 to %scan3A_66 step %scan3A_67  : i32 {
      %mul3A_539 = arith.constant 5 : i32
      %mul3A_540 = arith.muli %scan3A_538, %mul3A_539 : i32
      %add3A_541 = arith.constant 0 : i32
      %add3A_542 = arith.addi %mul3A_540, %add3A_541 : i32
      %dma_wait3A_543 = arith.constant 0 : i32
      %dma_wait3A_544 = arith.constant 0 : i32
      %dma_wait3A_545 = arith.constant 0 : i32
      %dma_wait3A_546 = arith.constant 0 : i32
      %dma_wait3A_547 = tpu.memref_slice %arg9[%dma_wait3A_544, %dma_wait3A_545, %dma_wait3A_546] : memref<5x128x64xf32, #tpu.memory_space<vmem>> -> memref<1x128x64xf32, #tpu.memory_space<vmem>>
      %dma_wait3A_548 = tpu.memref_squeeze %dma_wait3A_547 : memref<1x128x64xf32, #tpu.memory_space<vmem>> -> memref<128x64xf32, #tpu.memory_space<vmem>>
      %dma_wait3A_549 = arith.constant 0 : i32
      %dma_wait3A_550 = tpu.memref_slice %arg8[%dma_wait3A_543, %dma_wait3A_549] : memref<50x128xi32, #tpu.memory_space<vmem>> -> memref<1x128xi32, #tpu.memory_space<vmem>>
      %dma_wait3A_551 = tpu.memref_squeeze %dma_wait3A_550 : memref<1x128xi32, #tpu.memory_space<vmem>> -> memref<128xi32, #tpu.memory_space<vmem>>
      %dma_wait3A_552 = arith.constant 0 : i32
      %dma_wait3A_553 = arith.constant 0 : i32
      %dma_wait3A_554 = tpu.memref_slice %arg4[%dma_wait3A_552, %dma_wait3A_553] : memref<2000000x64xf32, #tpu.memory_space<hbm>> -> memref<2000000x64xf32, #tpu.memory_space<hbm>>
      tpu.wait_indirect_dma semaphore(%arg10 : memref<!tpu.dma_semaphore, #tpu.memory_space<semaphore_mem>>) src(%dma_wait3A_554 : memref<2000000x64xf32, #tpu.memory_space<hbm>>) dst(%dma_wait3A_548 : memref<128x64xf32, #tpu.memory_space<vmem>>)
      %mul3A_555 = arith.constant 128 : i32
      %mul3A_556 = arith.muli %add3A_542, %mul3A_555 : i32
      %add3A_557 = arith.addi %mul3A_4, %mul3A_556 : i32
      %dma_start3A_558 = arith.constant 0 : i32
      %dma_start3A_559 = arith.constant 0 : i32
      %dma_start3A_560 = arith.constant 0 : i32
      %dma_start3A_561 = tpu.memref_slice %arg9[%dma_start3A_558, %dma_start3A_559, %dma_start3A_560] : memref<5x128x64xf32, #tpu.memory_space<vmem>> -> memref<1x128x64xf32, #tpu.memory_space<vmem>>
      %dma_start3A_562 = tpu.memref_squeeze %dma_start3A_561 : memref<1x128x64xf32, #tpu.memory_space<vmem>> -> memref<128x64xf32, #tpu.memory_space<vmem>>
      %dma_start3A_563 = arith.constant 0 : i32
      %dma_start3A_564 = tpu.memref_slice %arg6[%add3A_557, %dma_start3A_563] : memref<204800x64xf32, #tpu.memory_space<hbm>> -> memref<128x64xf32, #tpu.memory_space<hbm>>
      %dma_start3A_565 = arith.constant 0 : i32
      %dma_start3A_566 = tpu.memref_slice %arg6[%add3A_557, %dma_start3A_565] : memref<204800x64xf32, #tpu.memory_space<hbm>> -> memref<128x64xf32, #tpu.memory_space<hbm>>
      %dma_start3A_567 = arith.constant 0 : i32
      %dma_start3A_568 = arith.constant 0 : i32
      %dma_start3A_569 = tpu.memref_slice %arg9[%dma_start3A_558, %dma_start3A_567, %dma_start3A_568] : memref<5x128x64xf32, #tpu.memory_space<vmem>> -> memref<1x128x64xf32, #tpu.memory_space<vmem>>
      %dma_start3A_570 = tpu.memref_squeeze %dma_start3A_569 : memref<1x128x64xf32, #tpu.memory_space<vmem>> -> memref<128x64xf32, #tpu.memory_space<vmem>>
      tpu.enqueue_dma source(%dma_start3A_570 : memref<128x64xf32, #tpu.memory_space<vmem>>) target(%dma_start3A_566 : memref<128x64xf32, #tpu.memory_space<hbm>>) target_semaphore(%arg15 : memref<!tpu.dma_semaphore, #tpu.memory_space<semaphore_mem>>)
      %dma_wait3A_571 = arith.constant 0 : i32
      %dma_wait3A_572 = arith.constant 0 : i32
      %dma_wait3A_573 = arith.constant 0 : i32
      %dma_wait3A_574 = tpu.memref_slice %arg9[%dma_wait3A_571, %dma_wait3A_572, %dma_wait3A_573] : memref<5x128x64xf32, #tpu.memory_space<vmem>> -> memref<1x128x64xf32, #tpu.memory_space<vmem>>
      %dma_wait3A_575 = tpu.memref_squeeze %dma_wait3A_574 : memref<1x128x64xf32, #tpu.memory_space<vmem>> -> memref<128x64xf32, #tpu.memory_space<vmem>>
      %dma_wait3A_576 = arith.constant 0 : i32
      %dma_wait3A_577 = tpu.memref_slice %arg6[%mul3A_4, %dma_wait3A_576] : memref<204800x64xf32, #tpu.memory_space<hbm>> -> memref<128x64xf32, #tpu.memory_space<hbm>>
      %dma_wait3A_578 = arith.constant 0 : i32
      %dma_wait3A_579 = tpu.memref_slice %arg6[%mul3A_4, %dma_wait3A_578] : memref<204800x64xf32, #tpu.memory_space<hbm>> -> memref<128x64xf32, #tpu.memory_space<hbm>>
      %dma_wait3A_580 = arith.constant 0 : i32
      %dma_wait3A_581 = arith.constant 0 : i32
      %dma_wait3A_582 = tpu.memref_slice %arg9[%dma_wait3A_571, %dma_wait3A_580, %dma_wait3A_581] : memref<5x128x64xf32, #tpu.memory_space<vmem>> -> memref<1x128x64xf32, #tpu.memory_space<vmem>>
      %dma_wait3A_583 = tpu.memref_squeeze %dma_wait3A_582 : memref<1x128x64xf32, #tpu.memory_space<vmem>> -> memref<128x64xf32, #tpu.memory_space<vmem>>
      tpu.wait_dma2 semaphore(%arg15 : memref<!tpu.dma_semaphore, #tpu.memory_space<semaphore_mem>>) src(%dma_wait3A_583 : memref<128x64xf32, #tpu.memory_space<vmem>>) dst(%dma_wait3A_579 : memref<128x64xf32, #tpu.memory_space<hbm>>)
      %add3A_584 = arith.constant 5 : i32
      %add3A_585 = arith.addi %add3A_542, %add3A_584 : i32
      %dma_start3A_586 = arith.constant 0 : i32
      %dma_start3A_587 = arith.constant 0 : i32
      %dma_start3A_588 = arith.constant 0 : i32
      %dma_start3A_589 = tpu.memref_slice %arg9[%dma_start3A_586, %dma_start3A_587, %dma_start3A_588] : memref<5x128x64xf32, #tpu.memory_space<vmem>> -> memref<1x128x64xf32, #tpu.memory_space<vmem>>
      %dma_start3A_590 = tpu.memref_squeeze %dma_start3A_589 : memref<1x128x64xf32, #tpu.memory_space<vmem>> -> memref<128x64xf32, #tpu.memory_space<vmem>>
      %dma_start3A_591 = arith.constant 0 : i32
      %dma_start3A_592 = tpu.memref_slice %arg8[%add3A_585, %dma_start3A_591] : memref<50x128xi32, #tpu.memory_space<vmem>> -> memref<1x128xi32, #tpu.memory_space<vmem>>
      %dma_start3A_593 = tpu.memref_squeeze %dma_start3A_592 : memref<1x128xi32, #tpu.memory_space<vmem>> -> memref<128xi32, #tpu.memory_space<vmem>>
      %dma_start3A_594 = arith.constant 0 : i32
      %dma_start3A_595 = arith.constant 0 : i32
      %dma_start3A_596 = tpu.memref_slice %arg4[%dma_start3A_594, %dma_start3A_595] : memref<2000000x64xf32, #tpu.memory_space<hbm>> -> memref<2000000x64xf32, #tpu.memory_space<hbm>>
      tpu.enqueue_indirect_dma source(%dma_start3A_596 : memref<2000000x64xf32, #tpu.memory_space<hbm>>) target(%dma_start3A_590 : memref<128x64xf32, #tpu.memory_space<vmem>>) offsets(%dma_start3A_593 : memref<128xi32, #tpu.memory_space<vmem>>) semaphore(%arg10 : memref<!tpu.dma_semaphore, #tpu.memory_space<semaphore_mem>>)
      %mul3A_597 = arith.constant 5 : i32
      %mul3A_598 = arith.muli %scan3A_538, %mul3A_597 : i32
      %add3A_599 = arith.constant 1 : i32
      %add3A_600 = arith.addi %mul3A_598, %add3A_599 : i32
      %dma_wait3A_601 = arith.constant 0 : i32
      %dma_wait3A_602 = arith.constant 1 : i32
      %dma_wait3A_603 = arith.constant 0 : i32
      %dma_wait3A_604 = arith.constant 0 : i32
      %dma_wait3A_605 = tpu.memref_slice %arg9[%dma_wait3A_602, %dma_wait3A_603, %dma_wait3A_604] : memref<5x128x64xf32, #tpu.memory_space<vmem>> -> memref<1x128x64xf32, #tpu.memory_space<vmem>>
      %dma_wait3A_606 = tpu.memref_squeeze %dma_wait3A_605 : memref<1x128x64xf32, #tpu.memory_space<vmem>> -> memref<128x64xf32, #tpu.memory_space<vmem>>
      %dma_wait3A_607 = arith.constant 0 : i32
      %dma_wait3A_608 = tpu.memref_slice %arg8[%dma_wait3A_601, %dma_wait3A_607] : memref<50x128xi32, #tpu.memory_space<vmem>> -> memref<1x128xi32, #tpu.memory_space<vmem>>
      %dma_wait3A_609 = tpu.memref_squeeze %dma_wait3A_608 : memref<1x128xi32, #tpu.memory_space<vmem>> -> memref<128xi32, #tpu.memory_space<vmem>>
      %dma_wait3A_610 = arith.constant 0 : i32
      %dma_wait3A_611 = arith.constant 0 : i32
      %dma_wait3A_612 = tpu.memref_slice %arg4[%dma_wait3A_610, %dma_wait3A_611] : memref<2000000x64xf32, #tpu.memory_space<hbm>> -> memref<2000000x64xf32, #tpu.memory_space<hbm>>
      tpu.wait_indirect_dma semaphore(%arg11 : memref<!tpu.dma_semaphore, #tpu.memory_space<semaphore_mem>>) src(%dma_wait3A_612 : memref<2000000x64xf32, #tpu.memory_space<hbm>>) dst(%dma_wait3A_606 : memref<128x64xf32, #tpu.memory_space<vmem>>)
      %mul3A_613 = arith.constant 128 : i32
      %mul3A_614 = arith.muli %add3A_600, %mul3A_613 : i32
      %add3A_615 = arith.addi %mul3A_4, %mul3A_614 : i32
      %dma_start3A_616 = arith.constant 1 : i32
      %dma_start3A_617 = arith.constant 0 : i32
      %dma_start3A_618 = arith.constant 0 : i32
      %dma_start3A_619 = tpu.memref_slice %arg9[%dma_start3A_616, %dma_start3A_617, %dma_start3A_618] : memref<5x128x64xf32, #tpu.memory_space<vmem>> -> memref<1x128x64xf32, #tpu.memory_space<vmem>>
      %dma_start3A_620 = tpu.memref_squeeze %dma_start3A_619 : memref<1x128x64xf32, #tpu.memory_space<vmem>> -> memref<128x64xf32, #tpu.memory_space<vmem>>
      %dma_start3A_621 = arith.constant 0 : i32
      %dma_start3A_622 = tpu.memref_slice %arg6[%add3A_615, %dma_start3A_621] : memref<204800x64xf32, #tpu.memory_space<hbm>> -> memref<128x64xf32, #tpu.memory_space<hbm>>
      %dma_start3A_623 = arith.constant 0 : i32
      %dma_start3A_624 = tpu.memref_slice %arg6[%add3A_615, %dma_start3A_623] : memref<204800x64xf32, #tpu.memory_space<hbm>> -> memref<128x64xf32, #tpu.memory_space<hbm>>
      %dma_start3A_625 = arith.constant 0 : i32
      %dma_start3A_626 = arith.constant 0 : i32
      %dma_start3A_627 = tpu.memref_slice %arg9[%dma_start3A_616, %dma_start3A_625, %dma_start3A_626] : memref<5x128x64xf32, #tpu.memory_space<vmem>> -> memref<1x128x64xf32, #tpu.memory_space<vmem>>
      %dma_start3A_628 = tpu.memref_squeeze %dma_start3A_627 : memref<1x128x64xf32, #tpu.memory_space<vmem>> -> memref<128x64xf32, #tpu.memory_space<vmem>>
      tpu.enqueue_dma source(%dma_start3A_628 : memref<128x64xf32, #tpu.memory_space<vmem>>) target(%dma_start3A_624 : memref<128x64xf32, #tpu.memory_space<hbm>>) target_semaphore(%arg16 : memref<!tpu.dma_semaphore, #tpu.memory_space<semaphore_mem>>)
      %dma_wait3A_629 = arith.constant 1 : i32
      %dma_wait3A_630 = arith.constant 0 : i32
      %dma_wait3A_631 = arith.constant 0 : i32
      %dma_wait3A_632 = tpu.memref_slice %arg9[%dma_wait3A_629, %dma_wait3A_630, %dma_wait3A_631] : memref<5x128x64xf32, #tpu.memory_space<vmem>> -> memref<1x128x64xf32, #tpu.memory_space<vmem>>
      %dma_wait3A_633 = tpu.memref_squeeze %dma_wait3A_632 : memref<1x128x64xf32, #tpu.memory_space<vmem>> -> memref<128x64xf32, #tpu.memory_space<vmem>>
      %dma_wait3A_634 = arith.constant 0 : i32
      %dma_wait3A_635 = tpu.memref_slice %arg6[%mul3A_4, %dma_wait3A_634] : memref<204800x64xf32, #tpu.memory_space<hbm>> -> memref<128x64xf32, #tpu.memory_space<hbm>>
      %dma_wait3A_636 = arith.constant 0 : i32
      %dma_wait3A_637 = tpu.memref_slice %arg6[%mul3A_4, %dma_wait3A_636] : memref<204800x64xf32, #tpu.memory_space<hbm>> -> memref<128x64xf32, #tpu.memory_space<hbm>>
      %dma_wait3A_638 = arith.constant 0 : i32
      %dma_wait3A_639 = arith.constant 0 : i32
      %dma_wait3A_640 = tpu.memref_slice %arg9[%dma_wait3A_629, %dma_wait3A_638, %dma_wait3A_639] : memref<5x128x64xf32, #tpu.memory_space<vmem>> -> memref<1x128x64xf32, #tpu.memory_space<vmem>>
      %dma_wait3A_641 = tpu.memref_squeeze %dma_wait3A_640 : memref<1x128x64xf32, #tpu.memory_space<vmem>> -> memref<128x64xf32, #tpu.memory_space<vmem>>
      tpu.wait_dma2 semaphore(%arg16 : memref<!tpu.dma_semaphore, #tpu.memory_space<semaphore_mem>>) src(%dma_wait3A_641 : memref<128x64xf32, #tpu.memory_space<vmem>>) dst(%dma_wait3A_637 : memref<128x64xf32, #tpu.memory_space<hbm>>)
      %add3A_642 = arith.constant 5 : i32
      %add3A_643 = arith.addi %add3A_600, %add3A_642 : i32
      %dma_start3A_644 = arith.constant 1 : i32
      %dma_start3A_645 = arith.constant 0 : i32
      %dma_start3A_646 = arith.constant 0 : i32
      %dma_start3A_647 = tpu.memref_slice %arg9[%dma_start3A_644, %dma_start3A_645, %dma_start3A_646] : memref<5x128x64xf32, #tpu.memory_space<vmem>> -> memref<1x128x64xf32, #tpu.memory_space<vmem>>
      %dma_start3A_648 = tpu.memref_squeeze %dma_start3A_647 : memref<1x128x64xf32, #tpu.memory_space<vmem>> -> memref<128x64xf32, #tpu.memory_space<vmem>>
      %dma_start3A_649 = arith.constant 0 : i32
      %dma_start3A_650 = tpu.memref_slice %arg8[%add3A_643, %dma_start3A_649] : memref<50x128xi32, #tpu.memory_space<vmem>> -> memref<1x128xi32, #tpu.memory_space<vmem>>
      %dma_start3A_651 = tpu.memref_squeeze %dma_start3A_650 : memref<1x128xi32, #tpu.memory_space<vmem>> -> memref<128xi32, #tpu.memory_space<vmem>>
      %dma_start3A_652 = arith.constant 0 : i32
      %dma_start3A_653 = arith.constant 0 : i32
      %dma_start3A_654 = tpu.memref_slice %arg4[%dma_start3A_652, %dma_start3A_653] : memref<2000000x64xf32, #tpu.memory_space<hbm>> -> memref<2000000x64xf32, #tpu.memory_space<hbm>>
      tpu.enqueue_indirect_dma source(%dma_start3A_654 : memref<2000000x64xf32, #tpu.memory_space<hbm>>) target(%dma_start3A_648 : memref<128x64xf32, #tpu.memory_space<vmem>>) offsets(%dma_start3A_651 : memref<128xi32, #tpu.memory_space<vmem>>) semaphore(%arg11 : memref<!tpu.dma_semaphore, #tpu.memory_space<semaphore_mem>>)
      %mul3A_655 = arith.constant 5 : i32
      %mul3A_656 = arith.muli %scan3A_538, %mul3A_655 : i32
      %add3A_657 = arith.constant 2 : i32
      %add3A_658 = arith.addi %mul3A_656, %add3A_657 : i32
      %dma_wait3A_659 = arith.constant 0 : i32
      %dma_wait3A_660 = arith.constant 2 : i32
      %dma_wait3A_661 = arith.constant 0 : i32
      %dma_wait3A_662 = arith.constant 0 : i32
      %dma_wait3A_663 = tpu.memref_slice %arg9[%dma_wait3A_660, %dma_wait3A_661, %dma_wait3A_662] : memref<5x128x64xf32, #tpu.memory_space<vmem>> -> memref<1x128x64xf32, #tpu.memory_space<vmem>>
      %dma_wait3A_664 = tpu.memref_squeeze %dma_wait3A_663 : memref<1x128x64xf32, #tpu.memory_space<vmem>> -> memref<128x64xf32, #tpu.memory_space<vmem>>
      %dma_wait3A_665 = arith.constant 0 : i32
      %dma_wait3A_666 = tpu.memref_slice %arg8[%dma_wait3A_659, %dma_wait3A_665] : memref<50x128xi32, #tpu.memory_space<vmem>> -> memref<1x128xi32, #tpu.memory_space<vmem>>
      %dma_wait3A_667 = tpu.memref_squeeze %dma_wait3A_666 : memref<1x128xi32, #tpu.memory_space<vmem>> -> memref<128xi32, #tpu.memory_space<vmem>>
      %dma_wait3A_668 = arith.constant 0 : i32
      %dma_wait3A_669 = arith.constant 0 : i32
      %dma_wait3A_670 = tpu.memref_slice %arg4[%dma_wait3A_668, %dma_wait3A_669] : memref<2000000x64xf32, #tpu.memory_space<hbm>> -> memref<2000000x64xf32, #tpu.memory_space<hbm>>
      tpu.wait_indirect_dma semaphore(%arg12 : memref<!tpu.dma_semaphore, #tpu.memory_space<semaphore_mem>>) src(%dma_wait3A_670 : memref<2000000x64xf32, #tpu.memory_space<hbm>>) dst(%dma_wait3A_664 : memref<128x64xf32, #tpu.memory_space<vmem>>)
      %mul3A_671 = arith.constant 128 : i32
      %mul3A_672 = arith.muli %add3A_658, %mul3A_671 : i32
      %add3A_673 = arith.addi %mul3A_4, %mul3A_672 : i32
      %dma_start3A_674 = arith.constant 2 : i32
      %dma_start3A_675 = arith.constant 0 : i32
      %dma_start3A_676 = arith.constant 0 : i32
      %dma_start3A_677 = tpu.memref_slice %arg9[%dma_start3A_674, %dma_start3A_675, %dma_start3A_676] : memref<5x128x64xf32, #tpu.memory_space<vmem>> -> memref<1x128x64xf32, #tpu.memory_space<vmem>>
      %dma_start3A_678 = tpu.memref_squeeze %dma_start3A_677 : memref<1x128x64xf32, #tpu.memory_space<vmem>> -> memref<128x64xf32, #tpu.memory_space<vmem>>
      %dma_start3A_679 = arith.constant 0 : i32
      %dma_start3A_680 = tpu.memref_slice %arg6[%add3A_673, %dma_start3A_679] : memref<204800x64xf32, #tpu.memory_space<hbm>> -> memref<128x64xf32, #tpu.memory_space<hbm>>
      %dma_start3A_681 = arith.constant 0 : i32
      %dma_start3A_682 = tpu.memref_slice %arg6[%add3A_673, %dma_start3A_681] : memref<204800x64xf32, #tpu.memory_space<hbm>> -> memref<128x64xf32, #tpu.memory_space<hbm>>
      %dma_start3A_683 = arith.constant 0 : i32
      %dma_start3A_684 = arith.constant 0 : i32
      %dma_start3A_685 = tpu.memref_slice %arg9[%dma_start3A_674, %dma_start3A_683, %dma_start3A_684] : memref<5x128x64xf32, #tpu.memory_space<vmem>> -> memref<1x128x64xf32, #tpu.memory_space<vmem>>
      %dma_start3A_686 = tpu.memref_squeeze %dma_start3A_685 : memref<1x128x64xf32, #tpu.memory_space<vmem>> -> memref<128x64xf32, #tpu.memory_space<vmem>>
      tpu.enqueue_dma source(%dma_start3A_686 : memref<128x64xf32, #tpu.memory_space<vmem>>) target(%dma_start3A_682 : memref<128x64xf32, #tpu.memory_space<hbm>>) target_semaphore(%arg17 : memref<!tpu.dma_semaphore, #tpu.memory_space<semaphore_mem>>)
      %dma_wait3A_687 = arith.constant 2 : i32
      %dma_wait3A_688 = arith.constant 0 : i32
      %dma_wait3A_689 = arith.constant 0 : i32
      %dma_wait3A_690 = tpu.memref_slice %arg9[%dma_wait3A_687, %dma_wait3A_688, %dma_wait3A_689] : memref<5x128x64xf32, #tpu.memory_space<vmem>> -> memref<1x128x64xf32, #tpu.memory_space<vmem>>
      %dma_wait3A_691 = tpu.memref_squeeze %dma_wait3A_690 : memref<1x128x64xf32, #tpu.memory_space<vmem>> -> memref<128x64xf32, #tpu.memory_space<vmem>>
      %dma_wait3A_692 = arith.constant 0 : i32
      %dma_wait3A_693 = tpu.memref_slice %arg6[%mul3A_4, %dma_wait3A_692] : memref<204800x64xf32, #tpu.memory_space<hbm>> -> memref<128x64xf32, #tpu.memory_space<hbm>>
      %dma_wait3A_694 = arith.constant 0 : i32
      %dma_wait3A_695 = tpu.memref_slice %arg6[%mul3A_4, %dma_wait3A_694] : memref<204800x64xf32, #tpu.memory_space<hbm>> -> memref<128x64xf32, #tpu.memory_space<hbm>>
      %dma_wait3A_696 = arith.constant 0 : i32
      %dma_wait3A_697 = arith.constant 0 : i32
      %dma_wait3A_698 = tpu.memref_slice %arg9[%dma_wait3A_687, %dma_wait3A_696, %dma_wait3A_697] : memref<5x128x64xf32, #tpu.memory_space<vmem>> -> memref<1x128x64xf32, #tpu.memory_space<vmem>>
      %dma_wait3A_699 = tpu.memref_squeeze %dma_wait3A_698 : memref<1x128x64xf32, #tpu.memory_space<vmem>> -> memref<128x64xf32, #tpu.memory_space<vmem>>
      tpu.wait_dma2 semaphore(%arg17 : memref<!tpu.dma_semaphore, #tpu.memory_space<semaphore_mem>>) src(%dma_wait3A_699 : memref<128x64xf32, #tpu.memory_space<vmem>>) dst(%dma_wait3A_695 : memref<128x64xf32, #tpu.memory_space<hbm>>)
      %add3A_700 = arith.constant 5 : i32
      %add3A_701 = arith.addi %add3A_658, %add3A_700 : i32
      %dma_start3A_702 = arith.constant 2 : i32
      %dma_start3A_703 = arith.constant 0 : i32
      %dma_start3A_704 = arith.constant 0 : i32
      %dma_start3A_705 = tpu.memref_slice %arg9[%dma_start3A_702, %dma_start3A_703, %dma_start3A_704] : memref<5x128x64xf32, #tpu.memory_space<vmem>> -> memref<1x128x64xf32, #tpu.memory_space<vmem>>
      %dma_start3A_706 = tpu.memref_squeeze %dma_start3A_705 : memref<1x128x64xf32, #tpu.memory_space<vmem>> -> memref<128x64xf32, #tpu.memory_space<vmem>>
      %dma_start3A_707 = arith.constant 0 : i32
      %dma_start3A_708 = tpu.memref_slice %arg8[%add3A_701, %dma_start3A_707] : memref<50x128xi32, #tpu.memory_space<vmem>> -> memref<1x128xi32, #tpu.memory_space<vmem>>
      %dma_start3A_709 = tpu.memref_squeeze %dma_start3A_708 : memref<1x128xi32, #tpu.memory_space<vmem>> -> memref<128xi32, #tpu.memory_space<vmem>>
      %dma_start3A_710 = arith.constant 0 : i32
      %dma_start3A_711 = arith.constant 0 : i32
      %dma_start3A_712 = tpu.memref_slice %arg4[%dma_start3A_710, %dma_start3A_711] : memref<2000000x64xf32, #tpu.memory_space<hbm>> -> memref<2000000x64xf32, #tpu.memory_space<hbm>>
      tpu.enqueue_indirect_dma source(%dma_start3A_712 : memref<2000000x64xf32, #tpu.memory_space<hbm>>) target(%dma_start3A_706 : memref<128x64xf32, #tpu.memory_space<vmem>>) offsets(%dma_start3A_709 : memref<128xi32, #tpu.memory_space<vmem>>) semaphore(%arg12 : memref<!tpu.dma_semaphore, #tpu.memory_space<semaphore_mem>>)
      %mul3A_713 = arith.constant 5 : i32
      %mul3A_714 = arith.muli %scan3A_538, %mul3A_713 : i32
      %add3A_715 = arith.constant 3 : i32
      %add3A_716 = arith.addi %mul3A_714, %add3A_715 : i32
      %dma_wait3A_717 = arith.constant 0 : i32
      %dma_wait3A_718 = arith.constant 3 : i32
      %dma_wait3A_719 = arith.constant 0 : i32
      %dma_wait3A_720 = arith.constant 0 : i32
      %dma_wait3A_721 = tpu.memref_slice %arg9[%dma_wait3A_718, %dma_wait3A_719, %dma_wait3A_720] : memref<5x128x64xf32, #tpu.memory_space<vmem>> -> memref<1x128x64xf32, #tpu.memory_space<vmem>>
      %dma_wait3A_722 = tpu.memref_squeeze %dma_wait3A_721 : memref<1x128x64xf32, #tpu.memory_space<vmem>> -> memref<128x64xf32, #tpu.memory_space<vmem>>
      %dma_wait3A_723 = arith.constant 0 : i32
      %dma_wait3A_724 = tpu.memref_slice %arg8[%dma_wait3A_717, %dma_wait3A_723] : memref<50x128xi32, #tpu.memory_space<vmem>> -> memref<1x128xi32, #tpu.memory_space<vmem>>
      %dma_wait3A_725 = tpu.memref_squeeze %dma_wait3A_724 : memref<1x128xi32, #tpu.memory_space<vmem>> -> memref<128xi32, #tpu.memory_space<vmem>>
      %dma_wait3A_726 = arith.constant 0 : i32
      %dma_wait3A_727 = arith.constant 0 : i32
      %dma_wait3A_728 = tpu.memref_slice %arg4[%dma_wait3A_726, %dma_wait3A_727] : memref<2000000x64xf32, #tpu.memory_space<hbm>> -> memref<2000000x64xf32, #tpu.memory_space<hbm>>
      tpu.wait_indirect_dma semaphore(%arg13 : memref<!tpu.dma_semaphore, #tpu.memory_space<semaphore_mem>>) src(%dma_wait3A_728 : memref<2000000x64xf32, #tpu.memory_space<hbm>>) dst(%dma_wait3A_722 : memref<128x64xf32, #tpu.memory_space<vmem>>)
      %mul3A_729 = arith.constant 128 : i32
      %mul3A_730 = arith.muli %add3A_716, %mul3A_729 : i32
      %add3A_731 = arith.addi %mul3A_4, %mul3A_730 : i32
      %dma_start3A_732 = arith.constant 3 : i32
      %dma_start3A_733 = arith.constant 0 : i32
      %dma_start3A_734 = arith.constant 0 : i32
      %dma_start3A_735 = tpu.memref_slice %arg9[%dma_start3A_732, %dma_start3A_733, %dma_start3A_734] : memref<5x128x64xf32, #tpu.memory_space<vmem>> -> memref<1x128x64xf32, #tpu.memory_space<vmem>>
      %dma_start3A_736 = tpu.memref_squeeze %dma_start3A_735 : memref<1x128x64xf32, #tpu.memory_space<vmem>> -> memref<128x64xf32, #tpu.memory_space<vmem>>
      %dma_start3A_737 = arith.constant 0 : i32
      %dma_start3A_738 = tpu.memref_slice %arg6[%add3A_731, %dma_start3A_737] : memref<204800x64xf32, #tpu.memory_space<hbm>> -> memref<128x64xf32, #tpu.memory_space<hbm>>
      %dma_start3A_739 = arith.constant 0 : i32
      %dma_start3A_740 = tpu.memref_slice %arg6[%add3A_731, %dma_start3A_739] : memref<204800x64xf32, #tpu.memory_space<hbm>> -> memref<128x64xf32, #tpu.memory_space<hbm>>
      %dma_start3A_741 = arith.constant 0 : i32
      %dma_start3A_742 = arith.constant 0 : i32
      %dma_start3A_743 = tpu.memref_slice %arg9[%dma_start3A_732, %dma_start3A_741, %dma_start3A_742] : memref<5x128x64xf32, #tpu.memory_space<vmem>> -> memref<1x128x64xf32, #tpu.memory_space<vmem>>
      %dma_start3A_744 = tpu.memref_squeeze %dma_start3A_743 : memref<1x128x64xf32, #tpu.memory_space<vmem>> -> memref<128x64xf32, #tpu.memory_space<vmem>>
      tpu.enqueue_dma source(%dma_start3A_744 : memref<128x64xf32, #tpu.memory_space<vmem>>) target(%dma_start3A_740 : memref<128x64xf32, #tpu.memory_space<hbm>>) target_semaphore(%arg18 : memref<!tpu.dma_semaphore, #tpu.memory_space<semaphore_mem>>)
      %dma_wait3A_745 = arith.constant 3 : i32
      %dma_wait3A_746 = arith.constant 0 : i32
      %dma_wait3A_747 = arith.constant 0 : i32
      %dma_wait3A_748 = tpu.memref_slice %arg9[%dma_wait3A_745, %dma_wait3A_746, %dma_wait3A_747] : memref<5x128x64xf32, #tpu.memory_space<vmem>> -> memref<1x128x64xf32, #tpu.memory_space<vmem>>
      %dma_wait3A_749 = tpu.memref_squeeze %dma_wait3A_748 : memref<1x128x64xf32, #tpu.memory_space<vmem>> -> memref<128x64xf32, #tpu.memory_space<vmem>>
      %dma_wait3A_750 = arith.constant 0 : i32
      %dma_wait3A_751 = tpu.memref_slice %arg6[%mul3A_4, %dma_wait3A_750] : memref<204800x64xf32, #tpu.memory_space<hbm>> -> memref<128x64xf32, #tpu.memory_space<hbm>>
      %dma_wait3A_752 = arith.constant 0 : i32
      %dma_wait3A_753 = tpu.memref_slice %arg6[%mul3A_4, %dma_wait3A_752] : memref<204800x64xf32, #tpu.memory_space<hbm>> -> memref<128x64xf32, #tpu.memory_space<hbm>>
      %dma_wait3A_754 = arith.constant 0 : i32
      %dma_wait3A_755 = arith.constant 0 : i32
      %dma_wait3A_756 = tpu.memref_slice %arg9[%dma_wait3A_745, %dma_wait3A_754, %dma_wait3A_755] : memref<5x128x64xf32, #tpu.memory_space<vmem>> -> memref<1x128x64xf32, #tpu.memory_space<vmem>>
      %dma_wait3A_757 = tpu.memref_squeeze %dma_wait3A_756 : memref<1x128x64xf32, #tpu.memory_space<vmem>> -> memref<128x64xf32, #tpu.memory_space<vmem>>
      tpu.wait_dma2 semaphore(%arg18 : memref<!tpu.dma_semaphore, #tpu.memory_space<semaphore_mem>>) src(%dma_wait3A_757 : memref<128x64xf32, #tpu.memory_space<vmem>>) dst(%dma_wait3A_753 : memref<128x64xf32, #tpu.memory_space<hbm>>)
      %add3A_758 = arith.constant 5 : i32
      %add3A_759 = arith.addi %add3A_716, %add3A_758 : i32
      %dma_start3A_760 = arith.constant 3 : i32
      %dma_start3A_761 = arith.constant 0 : i32
      %dma_start3A_762 = arith.constant 0 : i32
      %dma_start3A_763 = tpu.memref_slice %arg9[%dma_start3A_760, %dma_start3A_761, %dma_start3A_762] : memref<5x128x64xf32, #tpu.memory_space<vmem>> -> memref<1x128x64xf32, #tpu.memory_space<vmem>>
      %dma_start3A_764 = tpu.memref_squeeze %dma_start3A_763 : memref<1x128x64xf32, #tpu.memory_space<vmem>> -> memref<128x64xf32, #tpu.memory_space<vmem>>
      %dma_start3A_765 = arith.constant 0 : i32
      %dma_start3A_766 = tpu.memref_slice %arg8[%add3A_759, %dma_start3A_765] : memref<50x128xi32, #tpu.memory_space<vmem>> -> memref<1x128xi32, #tpu.memory_space<vmem>>
      %dma_start3A_767 = tpu.memref_squeeze %dma_start3A_766 : memref<1x128xi32, #tpu.memory_space<vmem>> -> memref<128xi32, #tpu.memory_space<vmem>>
      %dma_start3A_768 = arith.constant 0 : i32
      %dma_start3A_769 = arith.constant 0 : i32
      %dma_start3A_770 = tpu.memref_slice %arg4[%dma_start3A_768, %dma_start3A_769] : memref<2000000x64xf32, #tpu.memory_space<hbm>> -> memref<2000000x64xf32, #tpu.memory_space<hbm>>
      tpu.enqueue_indirect_dma source(%dma_start3A_770 : memref<2000000x64xf32, #tpu.memory_space<hbm>>) target(%dma_start3A_764 : memref<128x64xf32, #tpu.memory_space<vmem>>) offsets(%dma_start3A_767 : memref<128xi32, #tpu.memory_space<vmem>>) semaphore(%arg13 : memref<!tpu.dma_semaphore, #tpu.memory_space<semaphore_mem>>)
      %mul3A_771 = arith.constant 5 : i32
      %mul3A_772 = arith.muli %scan3A_538, %mul3A_771 : i32
      %add3A_773 = arith.constant 4 : i32
      %add3A_774 = arith.addi %mul3A_772, %add3A_773 : i32
      %dma_wait3A_775 = arith.constant 0 : i32
      %dma_wait3A_776 = arith.constant 4 : i32
      %dma_wait3A_777 = arith.constant 0 : i32
      %dma_wait3A_778 = arith.constant 0 : i32
      %dma_wait3A_779 = tpu.memref_slice %arg9[%dma_wait3A_776, %dma_wait3A_777, %dma_wait3A_778] : memref<5x128x64xf32, #tpu.memory_space<vmem>> -> memref<1x128x64xf32, #tpu.memory_space<vmem>>
      %dma_wait3A_780 = tpu.memref_squeeze %dma_wait3A_779 : memref<1x128x64xf32, #tpu.memory_space<vmem>> -> memref<128x64xf32, #tpu.memory_space<vmem>>
      %dma_wait3A_781 = arith.constant 0 : i32
      %dma_wait3A_782 = tpu.memref_slice %arg8[%dma_wait3A_775, %dma_wait3A_781] : memref<50x128xi32, #tpu.memory_space<vmem>> -> memref<1x128xi32, #tpu.memory_space<vmem>>
      %dma_wait3A_783 = tpu.memref_squeeze %dma_wait3A_782 : memref<1x128xi32, #tpu.memory_space<vmem>> -> memref<128xi32, #tpu.memory_space<vmem>>
      %dma_wait3A_784 = arith.constant 0 : i32
      %dma_wait3A_785 = arith.constant 0 : i32
      %dma_wait3A_786 = tpu.memref_slice %arg4[%dma_wait3A_784, %dma_wait3A_785] : memref<2000000x64xf32, #tpu.memory_space<hbm>> -> memref<2000000x64xf32, #tpu.memory_space<hbm>>
      tpu.wait_indirect_dma semaphore(%arg14 : memref<!tpu.dma_semaphore, #tpu.memory_space<semaphore_mem>>) src(%dma_wait3A_786 : memref<2000000x64xf32, #tpu.memory_space<hbm>>) dst(%dma_wait3A_780 : memref<128x64xf32, #tpu.memory_space<vmem>>)
      %mul3A_787 = arith.constant 128 : i32
      %mul3A_788 = arith.muli %add3A_774, %mul3A_787 : i32
      %add3A_789 = arith.addi %mul3A_4, %mul3A_788 : i32
      %dma_start3A_790 = arith.constant 4 : i32
      %dma_start3A_791 = arith.constant 0 : i32
      %dma_start3A_792 = arith.constant 0 : i32
      %dma_start3A_793 = tpu.memref_slice %arg9[%dma_start3A_790, %dma_start3A_791, %dma_start3A_792] : memref<5x128x64xf32, #tpu.memory_space<vmem>> -> memref<1x128x64xf32, #tpu.memory_space<vmem>>
      %dma_start3A_794 = tpu.memref_squeeze %dma_start3A_793 : memref<1x128x64xf32, #tpu.memory_space<vmem>> -> memref<128x64xf32, #tpu.memory_space<vmem>>
      %dma_start3A_795 = arith.constant 0 : i32
      %dma_start3A_796 = tpu.memref_slice %arg6[%add3A_789, %dma_start3A_795] : memref<204800x64xf32, #tpu.memory_space<hbm>> -> memref<128x64xf32, #tpu.memory_space<hbm>>
      %dma_start3A_797 = arith.constant 0 : i32
      %dma_start3A_798 = tpu.memref_slice %arg6[%add3A_789, %dma_start3A_797] : memref<204800x64xf32, #tpu.memory_space<hbm>> -> memref<128x64xf32, #tpu.memory_space<hbm>>
      %dma_start3A_799 = arith.constant 0 : i32
      %dma_start3A_800 = arith.constant 0 : i32
      %dma_start3A_801 = tpu.memref_slice %arg9[%dma_start3A_790, %dma_start3A_799, %dma_start3A_800] : memref<5x128x64xf32, #tpu.memory_space<vmem>> -> memref<1x128x64xf32, #tpu.memory_space<vmem>>
      %dma_start3A_802 = tpu.memref_squeeze %dma_start3A_801 : memref<1x128x64xf32, #tpu.memory_space<vmem>> -> memref<128x64xf32, #tpu.memory_space<vmem>>
      tpu.enqueue_dma source(%dma_start3A_802 : memref<128x64xf32, #tpu.memory_space<vmem>>) target(%dma_start3A_798 : memref<128x64xf32, #tpu.memory_space<hbm>>) target_semaphore(%arg19 : memref<!tpu.dma_semaphore, #tpu.memory_space<semaphore_mem>>)
      %dma_wait3A_803 = arith.constant 4 : i32
      %dma_wait3A_804 = arith.constant 0 : i32
      %dma_wait3A_805 = arith.constant 0 : i32
      %dma_wait3A_806 = tpu.memref_slice %arg9[%dma_wait3A_803, %dma_wait3A_804, %dma_wait3A_805] : memref<5x128x64xf32, #tpu.memory_space<vmem>> -> memref<1x128x64xf32, #tpu.memory_space<vmem>>
      %dma_wait3A_807 = tpu.memref_squeeze %dma_wait3A_806 : memref<1x128x64xf32, #tpu.memory_space<vmem>> -> memref<128x64xf32, #tpu.memory_space<vmem>>
      %dma_wait3A_808 = arith.constant 0 : i32
      %dma_wait3A_809 = tpu.memref_slice %arg6[%mul3A_4, %dma_wait3A_808] : memref<204800x64xf32, #tpu.memory_space<hbm>> -> memref<128x64xf32, #tpu.memory_space<hbm>>
      %dma_wait3A_810 = arith.constant 0 : i32
      %dma_wait3A_811 = tpu.memref_slice %arg6[%mul3A_4, %dma_wait3A_810] : memref<204800x64xf32, #tpu.memory_space<hbm>> -> memref<128x64xf32, #tpu.memory_space<hbm>>
      %dma_wait3A_812 = arith.constant 0 : i32
      %dma_wait3A_813 = arith.constant 0 : i32
      %dma_wait3A_814 = tpu.memref_slice %arg9[%dma_wait3A_803, %dma_wait3A_812, %dma_wait3A_813] : memref<5x128x64xf32, #tpu.memory_space<vmem>> -> memref<1x128x64xf32, #tpu.memory_space<vmem>>
      %dma_wait3A_815 = tpu.memref_squeeze %dma_wait3A_814 : memref<1x128x64xf32, #tpu.memory_space<vmem>> -> memref<128x64xf32, #tpu.memory_space<vmem>>
      tpu.wait_dma2 semaphore(%arg19 : memref<!tpu.dma_semaphore, #tpu.memory_space<semaphore_mem>>) src(%dma_wait3A_815 : memref<128x64xf32, #tpu.memory_space<vmem>>) dst(%dma_wait3A_811 : memref<128x64xf32, #tpu.memory_space<hbm>>)
      %add3A_816 = arith.constant 5 : i32
      %add3A_817 = arith.addi %add3A_774, %add3A_816 : i32
      %dma_start3A_818 = arith.constant 4 : i32
      %dma_start3A_819 = arith.constant 0 : i32
      %dma_start3A_820 = arith.constant 0 : i32
      %dma_start3A_821 = tpu.memref_slice %arg9[%dma_start3A_818, %dma_start3A_819, %dma_start3A_820] : memref<5x128x64xf32, #tpu.memory_space<vmem>> -> memref<1x128x64xf32, #tpu.memory_space<vmem>>
      %dma_start3A_822 = tpu.memref_squeeze %dma_start3A_821 : memref<1x128x64xf32, #tpu.memory_space<vmem>> -> memref<128x64xf32, #tpu.memory_space<vmem>>
      %dma_start3A_823 = arith.constant 0 : i32
      %dma_start3A_824 = tpu.memref_slice %arg8[%add3A_817, %dma_start3A_823] : memref<50x128xi32, #tpu.memory_space<vmem>> -> memref<1x128xi32, #tpu.memory_space<vmem>>
      %dma_start3A_825 = tpu.memref_squeeze %dma_start3A_824 : memref<1x128xi32, #tpu.memory_space<vmem>> -> memref<128xi32, #tpu.memory_space<vmem>>
      %dma_start3A_826 = arith.constant 0 : i32
      %dma_start3A_827 = arith.constant 0 : i32
      %dma_start3A_828 = tpu.memref_slice %arg4[%dma_start3A_826, %dma_start3A_827] : memref<2000000x64xf32, #tpu.memory_space<hbm>> -> memref<2000000x64xf32, #tpu.memory_space<hbm>>
      tpu.enqueue_indirect_dma source(%dma_start3A_828 : memref<2000000x64xf32, #tpu.memory_space<hbm>>) target(%dma_start3A_822 : memref<128x64xf32, #tpu.memory_space<vmem>>) offsets(%dma_start3A_825 : memref<128xi32, #tpu.memory_space<vmem>>) semaphore(%arg14 : memref<!tpu.dma_semaphore, #tpu.memory_space<semaphore_mem>>)
    }
    %scan3A_68 = arith.constant 9 : i32
    %dma_wait3A = arith.constant 0 : i32
    %dma_wait3A_69 = arith.constant 0 : i32
    %dma_wait3A_70 = arith.constant 0 : i32
    %dma_wait3A_71 = arith.constant 0 : i32
    %dma_wait3A_72 = tpu.memref_slice %arg9[%dma_wait3A_69, %dma_wait3A_70, %dma_wait3A_71] : memref<5x128x64xf32, #tpu.memory_space<vmem>> -> memref<1x128x64xf32, #tpu.memory_space<vmem>>
    %dma_wait3A_73 = tpu.memref_squeeze %dma_wait3A_72 : memref<1x128x64xf32, #tpu.memory_space<vmem>> -> memref<128x64xf32, #tpu.memory_space<vmem>>
    %dma_wait3A_74 = arith.constant 0 : i32
    %dma_wait3A_75 = tpu.memref_slice %arg8[%dma_wait3A, %dma_wait3A_74] : memref<50x128xi32, #tpu.memory_space<vmem>> -> memref<1x128xi32, #tpu.memory_space<vmem>>
    %dma_wait3A_76 = tpu.memref_squeeze %dma_wait3A_75 : memref<1x128xi32, #tpu.memory_space<vmem>> -> memref<128xi32, #tpu.memory_space<vmem>>
    %dma_wait3A_77 = arith.constant 0 : i32
    %dma_wait3A_78 = arith.constant 0 : i32
    %dma_wait3A_79 = tpu.memref_slice %arg4[%dma_wait3A_77, %dma_wait3A_78] : memref<2000000x64xf32, #tpu.memory_space<hbm>> -> memref<2000000x64xf32, #tpu.memory_space<hbm>>
    tpu.wait_indirect_dma semaphore(%arg10 : memref<!tpu.dma_semaphore, #tpu.memory_space<semaphore_mem>>) src(%dma_wait3A_79 : memref<2000000x64xf32, #tpu.memory_space<hbm>>) dst(%dma_wait3A_73 : memref<128x64xf32, #tpu.memory_space<vmem>>)
    %add3A_80 = arith.constant 5760 : i32
    %add3A_81 = arith.addi %mul3A_4, %add3A_80 : i32
    %dma_start3A_82 = arith.constant 0 : i32
    %dma_start3A_83 = arith.constant 0 : i32
    %dma_start3A_84 = arith.constant 0 : i32
    %dma_start3A_85 = tpu.memref_slice %arg9[%dma_start3A_82, %dma_start3A_83, %dma_start3A_84] : memref<5x128x64xf32, #tpu.memory_space<vmem>> -> memref<1x128x64xf32, #tpu.memory_space<vmem>>
    %dma_start3A_86 = tpu.memref_squeeze %dma_start3A_85 : memref<1x128x64xf32, #tpu.memory_space<vmem>> -> memref<128x64xf32, #tpu.memory_space<vmem>>
    %dma_start3A_87 = arith.constant 0 : i32
    %dma_start3A_88 = tpu.memref_slice %arg6[%add3A_81, %dma_start3A_87] : memref<204800x64xf32, #tpu.memory_space<hbm>> -> memref<128x64xf32, #tpu.memory_space<hbm>>
    %dma_start3A_89 = arith.constant 0 : i32
    %dma_start3A_90 = tpu.memref_slice %arg6[%add3A_81, %dma_start3A_89] : memref<204800x64xf32, #tpu.memory_space<hbm>> -> memref<128x64xf32, #tpu.memory_space<hbm>>
    %dma_start3A_91 = arith.constant 0 : i32
    %dma_start3A_92 = arith.constant 0 : i32
    %dma_start3A_93 = tpu.memref_slice %arg9[%dma_start3A_82, %dma_start3A_91, %dma_start3A_92] : memref<5x128x64xf32, #tpu.memory_space<vmem>> -> memref<1x128x64xf32, #tpu.memory_space<vmem>>
    %dma_start3A_94 = tpu.memref_squeeze %dma_start3A_93 : memref<1x128x64xf32, #tpu.memory_space<vmem>> -> memref<128x64xf32, #tpu.memory_space<vmem>>
    tpu.enqueue_dma source(%dma_start3A_94 : memref<128x64xf32, #tpu.memory_space<vmem>>) target(%dma_start3A_90 : memref<128x64xf32, #tpu.memory_space<hbm>>) target_semaphore(%arg15 : memref<!tpu.dma_semaphore, #tpu.memory_space<semaphore_mem>>)
    %dma_wait3A_95 = arith.constant 0 : i32
    %dma_wait3A_96 = arith.constant 0 : i32
    %dma_wait3A_97 = arith.constant 0 : i32
    %dma_wait3A_98 = tpu.memref_slice %arg9[%dma_wait3A_95, %dma_wait3A_96, %dma_wait3A_97] : memref<5x128x64xf32, #tpu.memory_space<vmem>> -> memref<1x128x64xf32, #tpu.memory_space<vmem>>
    %dma_wait3A_99 = tpu.memref_squeeze %dma_wait3A_98 : memref<1x128x64xf32, #tpu.memory_space<vmem>> -> memref<128x64xf32, #tpu.memory_space<vmem>>
    %dma_wait3A_100 = arith.constant 0 : i32
    %dma_wait3A_101 = tpu.memref_slice %arg6[%mul3A_4, %dma_wait3A_100] : memref<204800x64xf32, #tpu.memory_space<hbm>> -> memref<128x64xf32, #tpu.memory_space<hbm>>
    %dma_wait3A_102 = arith.constant 0 : i32
    %dma_wait3A_103 = tpu.memref_slice %arg6[%mul3A_4, %dma_wait3A_102] : memref<204800x64xf32, #tpu.memory_space<hbm>> -> memref<128x64xf32, #tpu.memory_space<hbm>>
    %dma_wait3A_104 = arith.constant 0 : i32
    %dma_wait3A_105 = arith.constant 0 : i32
    %dma_wait3A_106 = tpu.memref_slice %arg9[%dma_wait3A_95, %dma_wait3A_104, %dma_wait3A_105] : memref<5x128x64xf32, #tpu.memory_space<vmem>> -> memref<1x128x64xf32, #tpu.memory_space<vmem>>
    %dma_wait3A_107 = tpu.memref_squeeze %dma_wait3A_106 : memref<1x128x64xf32, #tpu.memory_space<vmem>> -> memref<128x64xf32, #tpu.memory_space<vmem>>
    tpu.wait_dma2 semaphore(%arg15 : memref<!tpu.dma_semaphore, #tpu.memory_space<semaphore_mem>>) src(%dma_wait3A_107 : memref<128x64xf32, #tpu.memory_space<vmem>>) dst(%dma_wait3A_103 : memref<128x64xf32, #tpu.memory_space<hbm>>)
    %dma_wait3A_108 = arith.constant 0 : i32
    %dma_wait3A_109 = arith.constant 1 : i32
    %dma_wait3A_110 = arith.constant 0 : i32
    %dma_wait3A_111 = arith.constant 0 : i32
    %dma_wait3A_112 = tpu.memref_slice %arg9[%dma_wait3A_109, %dma_wait3A_110, %dma_wait3A_111] : memref<5x128x64xf32, #tpu.memory_space<vmem>> -> memref<1x128x64xf32, #tpu.memory_space<vmem>>
    %dma_wait3A_113 = tpu.memref_squeeze %dma_wait3A_112 : memref<1x128x64xf32, #tpu.memory_space<vmem>> -> memref<128x64xf32, #tpu.memory_space<vmem>>
    %dma_wait3A_114 = arith.constant 0 : i32
    %dma_wait3A_115 = tpu.memref_slice %arg8[%dma_wait3A_108, %dma_wait3A_114] : memref<50x128xi32, #tpu.memory_space<vmem>> -> memref<1x128xi32, #tpu.memory_space<vmem>>
    %dma_wait3A_116 = tpu.memref_squeeze %dma_wait3A_115 : memref<1x128xi32, #tpu.memory_space<vmem>> -> memref<128xi32, #tpu.memory_space<vmem>>
    %dma_wait3A_117 = arith.constant 0 : i32
    %dma_wait3A_118 = arith.constant 0 : i32
    %dma_wait3A_119 = tpu.memref_slice %arg4[%dma_wait3A_117, %dma_wait3A_118] : memref<2000000x64xf32, #tpu.memory_space<hbm>> -> memref<2000000x64xf32, #tpu.memory_space<hbm>>
    tpu.wait_indirect_dma semaphore(%arg11 : memref<!tpu.dma_semaphore, #tpu.memory_space<semaphore_mem>>) src(%dma_wait3A_119 : memref<2000000x64xf32, #tpu.memory_space<hbm>>) dst(%dma_wait3A_113 : memref<128x64xf32, #tpu.memory_space<vmem>>)
    %add3A_120 = arith.constant 5888 : i32
    %add3A_121 = arith.addi %mul3A_4, %add3A_120 : i32
    %dma_start3A_122 = arith.constant 1 : i32
    %dma_start3A_123 = arith.constant 0 : i32
    %dma_start3A_124 = arith.constant 0 : i32
    %dma_start3A_125 = tpu.memref_slice %arg9[%dma_start3A_122, %dma_start3A_123, %dma_start3A_124] : memref<5x128x64xf32, #tpu.memory_space<vmem>> -> memref<1x128x64xf32, #tpu.memory_space<vmem>>
    %dma_start3A_126 = tpu.memref_squeeze %dma_start3A_125 : memref<1x128x64xf32, #tpu.memory_space<vmem>> -> memref<128x64xf32, #tpu.memory_space<vmem>>
    %dma_start3A_127 = arith.constant 0 : i32
    %dma_start3A_128 = tpu.memref_slice %arg6[%add3A_121, %dma_start3A_127] : memref<204800x64xf32, #tpu.memory_space<hbm>> -> memref<128x64xf32, #tpu.memory_space<hbm>>
    %dma_start3A_129 = arith.constant 0 : i32
    %dma_start3A_130 = tpu.memref_slice %arg6[%add3A_121, %dma_start3A_129] : memref<204800x64xf32, #tpu.memory_space<hbm>> -> memref<128x64xf32, #tpu.memory_space<hbm>>
    %dma_start3A_131 = arith.constant 0 : i32
    %dma_start3A_132 = arith.constant 0 : i32
    %dma_start3A_133 = tpu.memref_slice %arg9[%dma_start3A_122, %dma_start3A_131, %dma_start3A_132] : memref<5x128x64xf32, #tpu.memory_space<vmem>> -> memref<1x128x64xf32, #tpu.memory_space<vmem>>
    %dma_start3A_134 = tpu.memref_squeeze %dma_start3A_133 : memref<1x128x64xf32, #tpu.memory_space<vmem>> -> memref<128x64xf32, #tpu.memory_space<vmem>>
    tpu.enqueue_dma source(%dma_start3A_134 : memref<128x64xf32, #tpu.memory_space<vmem>>) target(%dma_start3A_130 : memref<128x64xf32, #tpu.memory_space<hbm>>) target_semaphore(%arg16 : memref<!tpu.dma_semaphore, #tpu.memory_space<semaphore_mem>>)
    %dma_wait3A_135 = arith.constant 1 : i32
    %dma_wait3A_136 = arith.constant 0 : i32
    %dma_wait3A_137 = arith.constant 0 : i32
    %dma_wait3A_138 = tpu.memref_slice %arg9[%dma_wait3A_135, %dma_wait3A_136, %dma_wait3A_137] : memref<5x128x64xf32, #tpu.memory_space<vmem>> -> memref<1x128x64xf32, #tpu.memory_space<vmem>>
    %dma_wait3A_139 = tpu.memref_squeeze %dma_wait3A_138 : memref<1x128x64xf32, #tpu.memory_space<vmem>> -> memref<128x64xf32, #tpu.memory_space<vmem>>
    %dma_wait3A_140 = arith.constant 0 : i32
    %dma_wait3A_141 = tpu.memref_slice %arg6[%mul3A_4, %dma_wait3A_140] : memref<204800x64xf32, #tpu.memory_space<hbm>> -> memref<128x64xf32, #tpu.memory_space<hbm>>
    %dma_wait3A_142 = arith.constant 0 : i32
    %dma_wait3A_143 = tpu.memref_slice %arg6[%mul3A_4, %dma_wait3A_142] : memref<204800x64xf32, #tpu.memory_space<hbm>> -> memref<128x64xf32, #tpu.memory_space<hbm>>
    %dma_wait3A_144 = arith.constant 0 : i32
    %dma_wait3A_145 = arith.constant 0 : i32
    %dma_wait3A_146 = tpu.memref_slice %arg9[%dma_wait3A_135, %dma_wait3A_144, %dma_wait3A_145] : memref<5x128x64xf32, #tpu.memory_space<vmem>> -> memref<1x128x64xf32, #tpu.memory_space<vmem>>
    %dma_wait3A_147 = tpu.memref_squeeze %dma_wait3A_146 : memref<1x128x64xf32, #tpu.memory_space<vmem>> -> memref<128x64xf32, #tpu.memory_space<vmem>>
    tpu.wait_dma2 semaphore(%arg16 : memref<!tpu.dma_semaphore, #tpu.memory_space<semaphore_mem>>) src(%dma_wait3A_147 : memref<128x64xf32, #tpu.memory_space<vmem>>) dst(%dma_wait3A_143 : memref<128x64xf32, #tpu.memory_space<hbm>>)
    %dma_wait3A_148 = arith.constant 0 : i32
    %dma_wait3A_149 = arith.constant 2 : i32
    %dma_wait3A_150 = arith.constant 0 : i32
    %dma_wait3A_151 = arith.constant 0 : i32
    %dma_wait3A_152 = tpu.memref_slice %arg9[%dma_wait3A_149, %dma_wait3A_150, %dma_wait3A_151] : memref<5x128x64xf32, #tpu.memory_space<vmem>> -> memref<1x128x64xf32, #tpu.memory_space<vmem>>
    %dma_wait3A_153 = tpu.memref_squeeze %dma_wait3A_152 : memref<1x128x64xf32, #tpu.memory_space<vmem>> -> memref<128x64xf32, #tpu.memory_space<vmem>>
    %dma_wait3A_154 = arith.constant 0 : i32
    %dma_wait3A_155 = tpu.memref_slice %arg8[%dma_wait3A_148, %dma_wait3A_154] : memref<50x128xi32, #tpu.memory_space<vmem>> -> memref<1x128xi32, #tpu.memory_space<vmem>>
    %dma_wait3A_156 = tpu.memref_squeeze %dma_wait3A_155 : memref<1x128xi32, #tpu.memory_space<vmem>> -> memref<128xi32, #tpu.memory_space<vmem>>
    %dma_wait3A_157 = arith.constant 0 : i32
    %dma_wait3A_158 = arith.constant 0 : i32
    %dma_wait3A_159 = tpu.memref_slice %arg4[%dma_wait3A_157, %dma_wait3A_158] : memref<2000000x64xf32, #tpu.memory_space<hbm>> -> memref<2000000x64xf32, #tpu.memory_space<hbm>>
    tpu.wait_indirect_dma semaphore(%arg12 : memref<!tpu.dma_semaphore, #tpu.memory_space<semaphore_mem>>) src(%dma_wait3A_159 : memref<2000000x64xf32, #tpu.memory_space<hbm>>) dst(%dma_wait3A_153 : memref<128x64xf32, #tpu.memory_space<vmem>>)
    %add3A_160 = arith.constant 6016 : i32
    %add3A_161 = arith.addi %mul3A_4, %add3A_160 : i32
    %dma_start3A_162 = arith.constant 2 : i32
    %dma_start3A_163 = arith.constant 0 : i32
    %dma_start3A_164 = arith.constant 0 : i32
    %dma_start3A_165 = tpu.memref_slice %arg9[%dma_start3A_162, %dma_start3A_163, %dma_start3A_164] : memref<5x128x64xf32, #tpu.memory_space<vmem>> -> memref<1x128x64xf32, #tpu.memory_space<vmem>>
    %dma_start3A_166 = tpu.memref_squeeze %dma_start3A_165 : memref<1x128x64xf32, #tpu.memory_space<vmem>> -> memref<128x64xf32, #tpu.memory_space<vmem>>
    %dma_start3A_167 = arith.constant 0 : i32
    %dma_start3A_168 = tpu.memref_slice %arg6[%add3A_161, %dma_start3A_167] : memref<204800x64xf32, #tpu.memory_space<hbm>> -> memref<128x64xf32, #tpu.memory_space<hbm>>
    %dma_start3A_169 = arith.constant 0 : i32
    %dma_start3A_170 = tpu.memref_slice %arg6[%add3A_161, %dma_start3A_169] : memref<204800x64xf32, #tpu.memory_space<hbm>> -> memref<128x64xf32, #tpu.memory_space<hbm>>
    %dma_start3A_171 = arith.constant 0 : i32
    %dma_start3A_172 = arith.constant 0 : i32
    %dma_start3A_173 = tpu.memref_slice %arg9[%dma_start3A_162, %dma_start3A_171, %dma_start3A_172] : memref<5x128x64xf32, #tpu.memory_space<vmem>> -> memref<1x128x64xf32, #tpu.memory_space<vmem>>
    %dma_start3A_174 = tpu.memref_squeeze %dma_start3A_173 : memref<1x128x64xf32, #tpu.memory_space<vmem>> -> memref<128x64xf32, #tpu.memory_space<vmem>>
    tpu.enqueue_dma source(%dma_start3A_174 : memref<128x64xf32, #tpu.memory_space<vmem>>) target(%dma_start3A_170 : memref<128x64xf32, #tpu.memory_space<hbm>>) target_semaphore(%arg17 : memref<!tpu.dma_semaphore, #tpu.memory_space<semaphore_mem>>)
    %dma_wait3A_175 = arith.constant 2 : i32
    %dma_wait3A_176 = arith.constant 0 : i32
    %dma_wait3A_177 = arith.constant 0 : i32
    %dma_wait3A_178 = tpu.memref_slice %arg9[%dma_wait3A_175, %dma_wait3A_176, %dma_wait3A_177] : memref<5x128x64xf32, #tpu.memory_space<vmem>> -> memref<1x128x64xf32, #tpu.memory_space<vmem>>
    %dma_wait3A_179 = tpu.memref_squeeze %dma_wait3A_178 : memref<1x128x64xf32, #tpu.memory_space<vmem>> -> memref<128x64xf32, #tpu.memory_space<vmem>>
    %dma_wait3A_180 = arith.constant 0 : i32
    %dma_wait3A_181 = tpu.memref_slice %arg6[%mul3A_4, %dma_wait3A_180] : memref<204800x64xf32, #tpu.memory_space<hbm>> -> memref<128x64xf32, #tpu.memory_space<hbm>>
    %dma_wait3A_182 = arith.constant 0 : i32
    %dma_wait3A_183 = tpu.memref_slice %arg6[%mul3A_4, %dma_wait3A_182] : memref<204800x64xf32, #tpu.memory_space<hbm>> -> memref<128x64xf32, #tpu.memory_space<hbm>>
    %dma_wait3A_184 = arith.constant 0 : i32
    %dma_wait3A_185 = arith.constant 0 : i32
    %dma_wait3A_186 = tpu.memref_slice %arg9[%dma_wait3A_175, %dma_wait3A_184, %dma_wait3A_185] : memref<5x128x64xf32, #tpu.memory_space<vmem>> -> memref<1x128x64xf32, #tpu.memory_space<vmem>>
    %dma_wait3A_187 = tpu.memref_squeeze %dma_wait3A_186 : memref<1x128x64xf32, #tpu.memory_space<vmem>> -> memref<128x64xf32, #tpu.memory_space<vmem>>
    tpu.wait_dma2 semaphore(%arg17 : memref<!tpu.dma_semaphore, #tpu.memory_space<semaphore_mem>>) src(%dma_wait3A_187 : memref<128x64xf32, #tpu.memory_space<vmem>>) dst(%dma_wait3A_183 : memref<128x64xf32, #tpu.memory_space<hbm>>)
    %dma_wait3A_188 = arith.constant 0 : i32
    %dma_wait3A_189 = arith.constant 3 : i32
    %dma_wait3A_190 = arith.constant 0 : i32
    %dma_wait3A_191 = arith.constant 0 : i32
    %dma_wait3A_192 = tpu.memref_slice %arg9[%dma_wait3A_189, %dma_wait3A_190, %dma_wait3A_191] : memref<5x128x64xf32, #tpu.memory_space<vmem>> -> memref<1x128x64xf32, #tpu.memory_space<vmem>>
    %dma_wait3A_193 = tpu.memref_squeeze %dma_wait3A_192 : memref<1x128x64xf32, #tpu.memory_space<vmem>> -> memref<128x64xf32, #tpu.memory_space<vmem>>
    %dma_wait3A_194 = arith.constant 0 : i32
    %dma_wait3A_195 = tpu.memref_slice %arg8[%dma_wait3A_188, %dma_wait3A_194] : memref<50x128xi32, #tpu.memory_space<vmem>> -> memref<1x128xi32, #tpu.memory_space<vmem>>
    %dma_wait3A_196 = tpu.memref_squeeze %dma_wait3A_195 : memref<1x128xi32, #tpu.memory_space<vmem>> -> memref<128xi32, #tpu.memory_space<vmem>>
    %dma_wait3A_197 = arith.constant 0 : i32
    %dma_wait3A_198 = arith.constant 0 : i32
    %dma_wait3A_199 = tpu.memref_slice %arg4[%dma_wait3A_197, %dma_wait3A_198] : memref<2000000x64xf32, #tpu.memory_space<hbm>> -> memref<2000000x64xf32, #tpu.memory_space<hbm>>
    tpu.wait_indirect_dma semaphore(%arg13 : memref<!tpu.dma_semaphore, #tpu.memory_space<semaphore_mem>>) src(%dma_wait3A_199 : memref<2000000x64xf32, #tpu.memory_space<hbm>>) dst(%dma_wait3A_193 : memref<128x64xf32, #tpu.memory_space<vmem>>)
    %add3A_200 = arith.constant 6144 : i32
    %add3A_201 = arith.addi %mul3A_4, %add3A_200 : i32
    %dma_start3A_202 = arith.constant 3 : i32
    %dma_start3A_203 = arith.constant 0 : i32
    %dma_start3A_204 = arith.constant 0 : i32
    %dma_start3A_205 = tpu.memref_slice %arg9[%dma_start3A_202, %dma_start3A_203, %dma_start3A_204] : memref<5x128x64xf32, #tpu.memory_space<vmem>> -> memref<1x128x64xf32, #tpu.memory_space<vmem>>
    %dma_start3A_206 = tpu.memref_squeeze %dma_start3A_205 : memref<1x128x64xf32, #tpu.memory_space<vmem>> -> memref<128x64xf32, #tpu.memory_space<vmem>>
    %dma_start3A_207 = arith.constant 0 : i32
    %dma_start3A_208 = tpu.memref_slice %arg6[%add3A_201, %dma_start3A_207] : memref<204800x64xf32, #tpu.memory_space<hbm>> -> memref<128x64xf32, #tpu.memory_space<hbm>>
    %dma_start3A_209 = arith.constant 0 : i32
    %dma_start3A_210 = tpu.memref_slice %arg6[%add3A_201, %dma_start3A_209] : memref<204800x64xf32, #tpu.memory_space<hbm>> -> memref<128x64xf32, #tpu.memory_space<hbm>>
    %dma_start3A_211 = arith.constant 0 : i32
    %dma_start3A_212 = arith.constant 0 : i32
    %dma_start3A_213 = tpu.memref_slice %arg9[%dma_start3A_202, %dma_start3A_211, %dma_start3A_212] : memref<5x128x64xf32, #tpu.memory_space<vmem>> -> memref<1x128x64xf32, #tpu.memory_space<vmem>>
    %dma_start3A_214 = tpu.memref_squeeze %dma_start3A_213 : memref<1x128x64xf32, #tpu.memory_space<vmem>> -> memref<128x64xf32, #tpu.memory_space<vmem>>
    tpu.enqueue_dma source(%dma_start3A_214 : memref<128x64xf32, #tpu.memory_space<vmem>>) target(%dma_start3A_210 : memref<128x64xf32, #tpu.memory_space<hbm>>) target_semaphore(%arg18 : memref<!tpu.dma_semaphore, #tpu.memory_space<semaphore_mem>>)
    %dma_wait3A_215 = arith.constant 3 : i32
    %dma_wait3A_216 = arith.constant 0 : i32
    %dma_wait3A_217 = arith.constant 0 : i32
    %dma_wait3A_218 = tpu.memref_slice %arg9[%dma_wait3A_215, %dma_wait3A_216, %dma_wait3A_217] : memref<5x128x64xf32, #tpu.memory_space<vmem>> -> memref<1x128x64xf32, #tpu.memory_space<vmem>>
    %dma_wait3A_219 = tpu.memref_squeeze %dma_wait3A_218 : memref<1x128x64xf32, #tpu.memory_space<vmem>> -> memref<128x64xf32, #tpu.memory_space<vmem>>
    %dma_wait3A_220 = arith.constant 0 : i32
    %dma_wait3A_221 = tpu.memref_slice %arg6[%mul3A_4, %dma_wait3A_220] : memref<204800x64xf32, #tpu.memory_space<hbm>> -> memref<128x64xf32, #tpu.memory_space<hbm>>
    %dma_wait3A_222 = arith.constant 0 : i32
    %dma_wait3A_223 = tpu.memref_slice %arg6[%mul3A_4, %dma_wait3A_222] : memref<204800x64xf32, #tpu.memory_space<hbm>> -> memref<128x64xf32, #tpu.memory_space<hbm>>
    %dma_wait3A_224 = arith.constant 0 : i32
    %dma_wait3A_225 = arith.constant 0 : i32
    %dma_wait3A_226 = tpu.memref_slice %arg9[%dma_wait3A_215, %dma_wait3A_224, %dma_wait3A_225] : memref<5x128x64xf32, #tpu.memory_space<vmem>> -> memref<1x128x64xf32, #tpu.memory_space<vmem>>
    %dma_wait3A_227 = tpu.memref_squeeze %dma_wait3A_226 : memref<1x128x64xf32, #tpu.memory_space<vmem>> -> memref<128x64xf32, #tpu.memory_space<vmem>>
    tpu.wait_dma2 semaphore(%arg18 : memref<!tpu.dma_semaphore, #tpu.memory_space<semaphore_mem>>) src(%dma_wait3A_227 : memref<128x64xf32, #tpu.memory_space<vmem>>) dst(%dma_wait3A_223 : memref<128x64xf32, #tpu.memory_space<hbm>>)
    %dma_wait3A_228 = arith.constant 0 : i32
    %dma_wait3A_229 = arith.constant 4 : i32
    %dma_wait3A_230 = arith.constant 0 : i32
    %dma_wait3A_231 = arith.constant 0 : i32
    %dma_wait3A_232 = tpu.memref_slice %arg9[%dma_wait3A_229, %dma_wait3A_230, %dma_wait3A_231] : memref<5x128x64xf32, #tpu.memory_space<vmem>> -> memref<1x128x64xf32, #tpu.memory_space<vmem>>
    %dma_wait3A_233 = tpu.memref_squeeze %dma_wait3A_232 : memref<1x128x64xf32, #tpu.memory_space<vmem>> -> memref<128x64xf32, #tpu.memory_space<vmem>>
    %dma_wait3A_234 = arith.constant 0 : i32
    %dma_wait3A_235 = tpu.memref_slice %arg8[%dma_wait3A_228, %dma_wait3A_234] : memref<50x128xi32, #tpu.memory_space<vmem>> -> memref<1x128xi32, #tpu.memory_space<vmem>>
    %dma_wait3A_236 = tpu.memref_squeeze %dma_wait3A_235 : memref<1x128xi32, #tpu.memory_space<vmem>> -> memref<128xi32, #tpu.memory_space<vmem>>
    %dma_wait3A_237 = arith.constant 0 : i32
    %dma_wait3A_238 = arith.constant 0 : i32
    %dma_wait3A_239 = tpu.memref_slice %arg4[%dma_wait3A_237, %dma_wait3A_238] : memref<2000000x64xf32, #tpu.memory_space<hbm>> -> memref<2000000x64xf32, #tpu.memory_space<hbm>>
    tpu.wait_indirect_dma semaphore(%arg14 : memref<!tpu.dma_semaphore, #tpu.memory_space<semaphore_mem>>) src(%dma_wait3A_239 : memref<2000000x64xf32, #tpu.memory_space<hbm>>) dst(%dma_wait3A_233 : memref<128x64xf32, #tpu.memory_space<vmem>>)
    %add3A_240 = arith.constant 6272 : i32
    %add3A_241 = arith.addi %mul3A_4, %add3A_240 : i32
    %dma_start3A_242 = arith.constant 4 : i32
    %dma_start3A_243 = arith.constant 0 : i32
    %dma_start3A_244 = arith.constant 0 : i32
    %dma_start3A_245 = tpu.memref_slice %arg9[%dma_start3A_242, %dma_start3A_243, %dma_start3A_244] : memref<5x128x64xf32, #tpu.memory_space<vmem>> -> memref<1x128x64xf32, #tpu.memory_space<vmem>>
    %dma_start3A_246 = tpu.memref_squeeze %dma_start3A_245 : memref<1x128x64xf32, #tpu.memory_space<vmem>> -> memref<128x64xf32, #tpu.memory_space<vmem>>
    %dma_start3A_247 = arith.constant 0 : i32
    %dma_start3A_248 = tpu.memref_slice %arg6[%add3A_241, %dma_start3A_247] : memref<204800x64xf32, #tpu.memory_space<hbm>> -> memref<128x64xf32, #tpu.memory_space<hbm>>
    %dma_start3A_249 = arith.constant 0 : i32
    %dma_start3A_250 = tpu.memref_slice %arg6[%add3A_241, %dma_start3A_249] : memref<204800x64xf32, #tpu.memory_space<hbm>> -> memref<128x64xf32, #tpu.memory_space<hbm>>
    %dma_start3A_251 = arith.constant 0 : i32
    %dma_start3A_252 = arith.constant 0 : i32
    %dma_start3A_253 = tpu.memref_slice %arg9[%dma_start3A_242, %dma_start3A_251, %dma_start3A_252] : memref<5x128x64xf32, #tpu.memory_space<vmem>> -> memref<1x128x64xf32, #tpu.memory_space<vmem>>
    %dma_start3A_254 = tpu.memref_squeeze %dma_start3A_253 : memref<1x128x64xf32, #tpu.memory_space<vmem>> -> memref<128x64xf32, #tpu.memory_space<vmem>>
    tpu.enqueue_dma source(%dma_start3A_254 : memref<128x64xf32, #tpu.memory_space<vmem>>) target(%dma_start3A_250 : memref<128x64xf32, #tpu.memory_space<hbm>>) target_semaphore(%arg19 : memref<!tpu.dma_semaphore, #tpu.memory_space<semaphore_mem>>)
    %dma_wait3A_255 = arith.constant 4 : i32
    %dma_wait3A_256 = arith.constant 0 : i32
    %dma_wait3A_257 = arith.constant 0 : i32
    %dma_wait3A_258 = tpu.memref_slice %arg9[%dma_wait3A_255, %dma_wait3A_256, %dma_wait3A_257] : memref<5x128x64xf32, #tpu.memory_space<vmem>> -> memref<1x128x64xf32, #tpu.memory_space<vmem>>
    %dma_wait3A_259 = tpu.memref_squeeze %dma_wait3A_258 : memref<1x128x64xf32, #tpu.memory_space<vmem>> -> memref<128x64xf32, #tpu.memory_space<vmem>>
    %dma_wait3A_260 = arith.constant 0 : i32
    %dma_wait3A_261 = tpu.memref_slice %arg6[%mul3A_4, %dma_wait3A_260] : memref<204800x64xf32, #tpu.memory_space<hbm>> -> memref<128x64xf32, #tpu.memory_space<hbm>>
    %dma_wait3A_262 = arith.constant 0 : i32
    %dma_wait3A_263 = tpu.memref_slice %arg6[%mul3A_4, %dma_wait3A_262] : memref<204800x64xf32, #tpu.memory_space<hbm>> -> memref<128x64xf32, #tpu.memory_space<hbm>>
    %dma_wait3A_264 = arith.constant 0 : i32
    %dma_wait3A_265 = arith.constant 0 : i32
    %dma_wait3A_266 = tpu.memref_slice %arg9[%dma_wait3A_255, %dma_wait3A_264, %dma_wait3A_265] : memref<5x128x64xf32, #tpu.memory_space<vmem>> -> memref<1x128x64xf32, #tpu.memory_space<vmem>>
    %dma_wait3A_267 = tpu.memref_squeeze %dma_wait3A_266 : memref<1x128x64xf32, #tpu.memory_space<vmem>> -> memref<128x64xf32, #tpu.memory_space<vmem>>
    tpu.wait_dma2 semaphore(%arg19 : memref<!tpu.dma_semaphore, #tpu.memory_space<semaphore_mem>>) src(%dma_wait3A_267 : memref<128x64xf32, #tpu.memory_space<vmem>>) dst(%dma_wait3A_263 : memref<128x64xf32, #tpu.memory_space<hbm>>)
    "tpu.region"() ({
      %run_scoped3A = tpu.sem_alloc : memref<!tpu.dma_semaphore, #tpu.memory_space<semaphore_mem>>
      %dma_start3A_538 = arith.constant 0 : i32
      %dma_start3A_539 = arith.constant 0 : i32
      %dma_start3A_540 = tpu.memref_slice %arg8[%dma_start3A_538, %dma_start3A_539] : memref<50x128xi32, #tpu.memory_space<vmem>> -> memref<20x128xi32, #tpu.memory_space<vmem>>
      %dma_start3A_541 = arith.constant 0 : i32
      %dma_start3A_542 = arith.constant 0 : i32
      %dma_start3A_543 = tpu.memref_slice %arg3[%add3A, %dma_start3A_541, %dma_start3A_542] : memref<32x20x128xi32, #tpu.memory_space<hbm>> -> memref<1x20x128xi32, #tpu.memory_space<hbm>>
      %dma_start3A_544 = tpu.memref_squeeze %dma_start3A_543 : memref<1x20x128xi32, #tpu.memory_space<hbm>> -> memref<20x128xi32, #tpu.memory_space<hbm>>
      %dma_start3A_545 = arith.constant 0 : i32
      %dma_start3A_546 = arith.constant 0 : i32
      %dma_start3A_547 = tpu.memref_slice %arg8[%dma_start3A_545, %dma_start3A_546] : memref<50x128xi32, #tpu.memory_space<vmem>> -> memref<20x128xi32, #tpu.memory_space<vmem>>
      %dma_start3A_548 = arith.constant 0 : i32
      %dma_start3A_549 = arith.constant 0 : i32
      %dma_start3A_550 = tpu.memref_slice %arg3[%add3A, %dma_start3A_548, %dma_start3A_549] : memref<32x20x128xi32, #tpu.memory_space<hbm>> -> memref<1x20x128xi32, #tpu.memory_space<hbm>>
      %dma_start3A_551 = tpu.memref_squeeze %dma_start3A_550 : memref<1x20x128xi32, #tpu.memory_space<hbm>> -> memref<20x128xi32, #tpu.memory_space<hbm>>
      tpu.enqueue_dma source(%dma_start3A_551 : memref<20x128xi32, #tpu.memory_space<hbm>>) target(%dma_start3A_547 : memref<20x128xi32, #tpu.memory_space<vmem>>) target_semaphore(%run_scoped3A : memref<!tpu.dma_semaphore, #tpu.memory_space<semaphore_mem>>)
      %dma_wait3A_552 = arith.constant 0 : i32
      %dma_wait3A_553 = arith.constant 0 : i32
      %dma_wait3A_554 = tpu.memref_slice %arg8[%dma_wait3A_552, %dma_wait3A_553] : memref<50x128xi32, #tpu.memory_space<vmem>> -> memref<20x128xi32, #tpu.memory_space<vmem>>
      %dma_wait3A_555 = arith.constant 0 : i32
      %dma_wait3A_556 = arith.constant 0 : i32
      %dma_wait3A_557 = tpu.memref_slice %arg3[%add3A, %dma_wait3A_555, %dma_wait3A_556] : memref<32x20x128xi32, #tpu.memory_space<hbm>> -> memref<1x20x128xi32, #tpu.memory_space<hbm>>
      %dma_wait3A_558 = tpu.memref_squeeze %dma_wait3A_557 : memref<1x20x128xi32, #tpu.memory_space<hbm>> -> memref<20x128xi32, #tpu.memory_space<hbm>>
      %dma_wait3A_559 = arith.constant 0 : i32
      %dma_wait3A_560 = arith.constant 0 : i32
      %dma_wait3A_561 = tpu.memref_slice %arg8[%dma_wait3A_559, %dma_wait3A_560] : memref<50x128xi32, #tpu.memory_space<vmem>> -> memref<20x128xi32, #tpu.memory_space<vmem>>
      %dma_wait3A_562 = arith.constant 0 : i32
      %dma_wait3A_563 = arith.constant 0 : i32
      %dma_wait3A_564 = tpu.memref_slice %arg3[%add3A, %dma_wait3A_562, %dma_wait3A_563] : memref<32x20x128xi32, #tpu.memory_space<hbm>> -> memref<1x20x128xi32, #tpu.memory_space<hbm>>
      %dma_wait3A_565 = tpu.memref_squeeze %dma_wait3A_564 : memref<1x20x128xi32, #tpu.memory_space<hbm>> -> memref<20x128xi32, #tpu.memory_space<hbm>>
      tpu.wait_dma2 semaphore(%run_scoped3A : memref<!tpu.dma_semaphore, #tpu.memory_space<semaphore_mem>>) src(%dma_wait3A_565 : memref<20x128xi32, #tpu.memory_space<hbm>>) dst(%dma_wait3A_561 : memref<20x128xi32, #tpu.memory_space<vmem>>)
      tpu.yield
    }) : () -> ()
    %mul3A_268 = arith.constant 20 : i32
    %mul3A_269 = arith.muli %add3A, %mul3A_268 : i32
    %mul3A_270 = arith.constant 128 : i32
    %mul3A_271 = arith.muli %mul3A_269, %mul3A_270 : i32
    %dma_start3A_272 = arith.constant 0 : i32
    %dma_start3A_273 = arith.constant 0 : i32
    %dma_start3A_274 = arith.constant 0 : i32
    %dma_start3A_275 = arith.constant 0 : i32
    %dma_start3A_276 = tpu.memref_slice %arg9[%dma_start3A_273, %dma_start3A_274, %dma_start3A_275] : memref<5x128x64xf32, #tpu.memory_space<vmem>> -> memref<1x128x64xf32, #tpu.memory_space<vmem>>
    %dma_start3A_277 = tpu.memref_squeeze %dma_start3A_276 : memref<1x128x64xf32, #tpu.memory_space<vmem>> -> memref<128x64xf32, #tpu.memory_space<vmem>>
    %dma_start3A_278 = arith.constant 0 : i32
    %dma_start3A_279 = tpu.memref_slice %arg8[%dma_start3A_272, %dma_start3A_278] : memref<50x128xi32, #tpu.memory_space<vmem>> -> memref<1x128xi32, #tpu.memory_space<vmem>>
    %dma_start3A_280 = tpu.memref_squeeze %dma_start3A_279 : memref<1x128xi32, #tpu.memory_space<vmem>> -> memref<128xi32, #tpu.memory_space<vmem>>
    %dma_start3A_281 = arith.constant 0 : i32
    %dma_start3A_282 = arith.constant 0 : i32
    %dma_start3A_283 = tpu.memref_slice %arg5[%dma_start3A_281, %dma_start3A_282] : memref<200000x64xf32, #tpu.memory_space<hbm>> -> memref<200000x64xf32, #tpu.memory_space<hbm>>
    tpu.enqueue_indirect_dma source(%dma_start3A_283 : memref<200000x64xf32, #tpu.memory_space<hbm>>) target(%dma_start3A_277 : memref<128x64xf32, #tpu.memory_space<vmem>>) offsets(%dma_start3A_280 : memref<128xi32, #tpu.memory_space<vmem>>) semaphore(%arg10 : memref<!tpu.dma_semaphore, #tpu.memory_space<semaphore_mem>>)
    %dma_start3A_284 = arith.constant 1 : i32
    %dma_start3A_285 = arith.constant 1 : i32
    %dma_start3A_286 = arith.constant 0 : i32
    %dma_start3A_287 = arith.constant 0 : i32
    %dma_start3A_288 = tpu.memref_slice %arg9[%dma_start3A_285, %dma_start3A_286, %dma_start3A_287] : memref<5x128x64xf32, #tpu.memory_space<vmem>> -> memref<1x128x64xf32, #tpu.memory_space<vmem>>
    %dma_start3A_289 = tpu.memref_squeeze %dma_start3A_288 : memref<1x128x64xf32, #tpu.memory_space<vmem>> -> memref<128x64xf32, #tpu.memory_space<vmem>>
    %dma_start3A_290 = arith.constant 0 : i32
    %dma_start3A_291 = tpu.memref_slice %arg8[%dma_start3A_284, %dma_start3A_290] : memref<50x128xi32, #tpu.memory_space<vmem>> -> memref<1x128xi32, #tpu.memory_space<vmem>>
    %dma_start3A_292 = tpu.memref_squeeze %dma_start3A_291 : memref<1x128xi32, #tpu.memory_space<vmem>> -> memref<128xi32, #tpu.memory_space<vmem>>
    %dma_start3A_293 = arith.constant 0 : i32
    %dma_start3A_294 = arith.constant 0 : i32
    %dma_start3A_295 = tpu.memref_slice %arg5[%dma_start3A_293, %dma_start3A_294] : memref<200000x64xf32, #tpu.memory_space<hbm>> -> memref<200000x64xf32, #tpu.memory_space<hbm>>
    tpu.enqueue_indirect_dma source(%dma_start3A_295 : memref<200000x64xf32, #tpu.memory_space<hbm>>) target(%dma_start3A_289 : memref<128x64xf32, #tpu.memory_space<vmem>>) offsets(%dma_start3A_292 : memref<128xi32, #tpu.memory_space<vmem>>) semaphore(%arg11 : memref<!tpu.dma_semaphore, #tpu.memory_space<semaphore_mem>>)
    %dma_start3A_296 = arith.constant 2 : i32
    %dma_start3A_297 = arith.constant 2 : i32
    %dma_start3A_298 = arith.constant 0 : i32
    %dma_start3A_299 = arith.constant 0 : i32
    %dma_start3A_300 = tpu.memref_slice %arg9[%dma_start3A_297, %dma_start3A_298, %dma_start3A_299] : memref<5x128x64xf32, #tpu.memory_space<vmem>> -> memref<1x128x64xf32, #tpu.memory_space<vmem>>
    %dma_start3A_301 = tpu.memref_squeeze %dma_start3A_300 : memref<1x128x64xf32, #tpu.memory_space<vmem>> -> memref<128x64xf32, #tpu.memory_space<vmem>>
    %dma_start3A_302 = arith.constant 0 : i32
    %dma_start3A_303 = tpu.memref_slice %arg8[%dma_start3A_296, %dma_start3A_302] : memref<50x128xi32, #tpu.memory_space<vmem>> -> memref<1x128xi32, #tpu.memory_space<vmem>>
    %dma_start3A_304 = tpu.memref_squeeze %dma_start3A_303 : memref<1x128xi32, #tpu.memory_space<vmem>> -> memref<128xi32, #tpu.memory_space<vmem>>
    %dma_start3A_305 = arith.constant 0 : i32
    %dma_start3A_306 = arith.constant 0 : i32
    %dma_start3A_307 = tpu.memref_slice %arg5[%dma_start3A_305, %dma_start3A_306] : memref<200000x64xf32, #tpu.memory_space<hbm>> -> memref<200000x64xf32, #tpu.memory_space<hbm>>
    tpu.enqueue_indirect_dma source(%dma_start3A_307 : memref<200000x64xf32, #tpu.memory_space<hbm>>) target(%dma_start3A_301 : memref<128x64xf32, #tpu.memory_space<vmem>>) offsets(%dma_start3A_304 : memref<128xi32, #tpu.memory_space<vmem>>) semaphore(%arg12 : memref<!tpu.dma_semaphore, #tpu.memory_space<semaphore_mem>>)
    %dma_start3A_308 = arith.constant 3 : i32
    %dma_start3A_309 = arith.constant 3 : i32
    %dma_start3A_310 = arith.constant 0 : i32
    %dma_start3A_311 = arith.constant 0 : i32
    %dma_start3A_312 = tpu.memref_slice %arg9[%dma_start3A_309, %dma_start3A_310, %dma_start3A_311] : memref<5x128x64xf32, #tpu.memory_space<vmem>> -> memref<1x128x64xf32, #tpu.memory_space<vmem>>
    %dma_start3A_313 = tpu.memref_squeeze %dma_start3A_312 : memref<1x128x64xf32, #tpu.memory_space<vmem>> -> memref<128x64xf32, #tpu.memory_space<vmem>>
    %dma_start3A_314 = arith.constant 0 : i32
    %dma_start3A_315 = tpu.memref_slice %arg8[%dma_start3A_308, %dma_start3A_314] : memref<50x128xi32, #tpu.memory_space<vmem>> -> memref<1x128xi32, #tpu.memory_space<vmem>>
    %dma_start3A_316 = tpu.memref_squeeze %dma_start3A_315 : memref<1x128xi32, #tpu.memory_space<vmem>> -> memref<128xi32, #tpu.memory_space<vmem>>
    %dma_start3A_317 = arith.constant 0 : i32
    %dma_start3A_318 = arith.constant 0 : i32
    %dma_start3A_319 = tpu.memref_slice %arg5[%dma_start3A_317, %dma_start3A_318] : memref<200000x64xf32, #tpu.memory_space<hbm>> -> memref<200000x64xf32, #tpu.memory_space<hbm>>
    tpu.enqueue_indirect_dma source(%dma_start3A_319 : memref<200000x64xf32, #tpu.memory_space<hbm>>) target(%dma_start3A_313 : memref<128x64xf32, #tpu.memory_space<vmem>>) offsets(%dma_start3A_316 : memref<128xi32, #tpu.memory_space<vmem>>) semaphore(%arg13 : memref<!tpu.dma_semaphore, #tpu.memory_space<semaphore_mem>>)
    %dma_start3A_320 = arith.constant 4 : i32
    %dma_start3A_321 = arith.constant 4 : i32
    %dma_start3A_322 = arith.constant 0 : i32
    %dma_start3A_323 = arith.constant 0 : i32
    %dma_start3A_324 = tpu.memref_slice %arg9[%dma_start3A_321, %dma_start3A_322, %dma_start3A_323] : memref<5x128x64xf32, #tpu.memory_space<vmem>> -> memref<1x128x64xf32, #tpu.memory_space<vmem>>
    %dma_start3A_325 = tpu.memref_squeeze %dma_start3A_324 : memref<1x128x64xf32, #tpu.memory_space<vmem>> -> memref<128x64xf32, #tpu.memory_space<vmem>>
    %dma_start3A_326 = arith.constant 0 : i32
    %dma_start3A_327 = tpu.memref_slice %arg8[%dma_start3A_320, %dma_start3A_326] : memref<50x128xi32, #tpu.memory_space<vmem>> -> memref<1x128xi32, #tpu.memory_space<vmem>>
    %dma_start3A_328 = tpu.memref_squeeze %dma_start3A_327 : memref<1x128xi32, #tpu.memory_space<vmem>> -> memref<128xi32, #tpu.memory_space<vmem>>
    %dma_start3A_329 = arith.constant 0 : i32
    %dma_start3A_330 = arith.constant 0 : i32
    %dma_start3A_331 = tpu.memref_slice %arg5[%dma_start3A_329, %dma_start3A_330] : memref<200000x64xf32, #tpu.memory_space<hbm>> -> memref<200000x64xf32, #tpu.memory_space<hbm>>
    tpu.enqueue_indirect_dma source(%dma_start3A_331 : memref<200000x64xf32, #tpu.memory_space<hbm>>) target(%dma_start3A_325 : memref<128x64xf32, #tpu.memory_space<vmem>>) offsets(%dma_start3A_328 : memref<128xi32, #tpu.memory_space<vmem>>) semaphore(%arg14 : memref<!tpu.dma_semaphore, #tpu.memory_space<semaphore_mem>>)
    %scan3A_332 = arith.constant 0 : i32
    %scan3A_333 = arith.constant 0 : i32
    %scan3A_334 = arith.constant 3 : i32
    %scan3A_335 = arith.addi %scan3A_333, %scan3A_334 : i32
    %scan3A_336 = arith.constant 1 : i32
    scf.for %scan3A_538 = %scan3A_333 to %scan3A_335 step %scan3A_336  : i32 {
      %mul3A_539 = arith.constant 5 : i32
      %mul3A_540 = arith.muli %scan3A_538, %mul3A_539 : i32
      %add3A_541 = arith.constant 0 : i32
      %add3A_542 = arith.addi %mul3A_540, %add3A_541 : i32
      %dma_wait3A_543 = arith.constant 0 : i32
      %dma_wait3A_544 = arith.constant 0 : i32
      %dma_wait3A_545 = arith.constant 0 : i32
      %dma_wait3A_546 = arith.constant 0 : i32
      %dma_wait3A_547 = tpu.memref_slice %arg9[%dma_wait3A_544, %dma_wait3A_545, %dma_wait3A_546] : memref<5x128x64xf32, #tpu.memory_space<vmem>> -> memref<1x128x64xf32, #tpu.memory_space<vmem>>
      %dma_wait3A_548 = tpu.memref_squeeze %dma_wait3A_547 : memref<1x128x64xf32, #tpu.memory_space<vmem>> -> memref<128x64xf32, #tpu.memory_space<vmem>>
      %dma_wait3A_549 = arith.constant 0 : i32
      %dma_wait3A_550 = tpu.memref_slice %arg8[%dma_wait3A_543, %dma_wait3A_549] : memref<50x128xi32, #tpu.memory_space<vmem>> -> memref<1x128xi32, #tpu.memory_space<vmem>>
      %dma_wait3A_551 = tpu.memref_squeeze %dma_wait3A_550 : memref<1x128xi32, #tpu.memory_space<vmem>> -> memref<128xi32, #tpu.memory_space<vmem>>
      %dma_wait3A_552 = arith.constant 0 : i32
      %dma_wait3A_553 = arith.constant 0 : i32
      %dma_wait3A_554 = tpu.memref_slice %arg5[%dma_wait3A_552, %dma_wait3A_553] : memref<200000x64xf32, #tpu.memory_space<hbm>> -> memref<200000x64xf32, #tpu.memory_space<hbm>>
      tpu.wait_indirect_dma semaphore(%arg10 : memref<!tpu.dma_semaphore, #tpu.memory_space<semaphore_mem>>) src(%dma_wait3A_554 : memref<200000x64xf32, #tpu.memory_space<hbm>>) dst(%dma_wait3A_548 : memref<128x64xf32, #tpu.memory_space<vmem>>)
      %mul3A_555 = arith.constant 128 : i32
      %mul3A_556 = arith.muli %add3A_542, %mul3A_555 : i32
      %add3A_557 = arith.addi %mul3A_271, %mul3A_556 : i32
      %dma_start3A_558 = arith.constant 0 : i32
      %dma_start3A_559 = arith.constant 0 : i32
      %dma_start3A_560 = arith.constant 0 : i32
      %dma_start3A_561 = tpu.memref_slice %arg9[%dma_start3A_558, %dma_start3A_559, %dma_start3A_560] : memref<5x128x64xf32, #tpu.memory_space<vmem>> -> memref<1x128x64xf32, #tpu.memory_space<vmem>>
      %dma_start3A_562 = tpu.memref_squeeze %dma_start3A_561 : memref<1x128x64xf32, #tpu.memory_space<vmem>> -> memref<128x64xf32, #tpu.memory_space<vmem>>
      %dma_start3A_563 = arith.constant 0 : i32
      %dma_start3A_564 = tpu.memref_slice %arg7[%add3A_557, %dma_start3A_563] : memref<81920x64xf32, #tpu.memory_space<hbm>> -> memref<128x64xf32, #tpu.memory_space<hbm>>
      %dma_start3A_565 = arith.constant 0 : i32
      %dma_start3A_566 = tpu.memref_slice %arg7[%add3A_557, %dma_start3A_565] : memref<81920x64xf32, #tpu.memory_space<hbm>> -> memref<128x64xf32, #tpu.memory_space<hbm>>
      %dma_start3A_567 = arith.constant 0 : i32
      %dma_start3A_568 = arith.constant 0 : i32
      %dma_start3A_569 = tpu.memref_slice %arg9[%dma_start3A_558, %dma_start3A_567, %dma_start3A_568] : memref<5x128x64xf32, #tpu.memory_space<vmem>> -> memref<1x128x64xf32, #tpu.memory_space<vmem>>
      %dma_start3A_570 = tpu.memref_squeeze %dma_start3A_569 : memref<1x128x64xf32, #tpu.memory_space<vmem>> -> memref<128x64xf32, #tpu.memory_space<vmem>>
      tpu.enqueue_dma source(%dma_start3A_570 : memref<128x64xf32, #tpu.memory_space<vmem>>) target(%dma_start3A_566 : memref<128x64xf32, #tpu.memory_space<hbm>>) target_semaphore(%arg15 : memref<!tpu.dma_semaphore, #tpu.memory_space<semaphore_mem>>)
      %dma_wait3A_571 = arith.constant 0 : i32
      %dma_wait3A_572 = arith.constant 0 : i32
      %dma_wait3A_573 = arith.constant 0 : i32
      %dma_wait3A_574 = tpu.memref_slice %arg9[%dma_wait3A_571, %dma_wait3A_572, %dma_wait3A_573] : memref<5x128x64xf32, #tpu.memory_space<vmem>> -> memref<1x128x64xf32, #tpu.memory_space<vmem>>
      %dma_wait3A_575 = tpu.memref_squeeze %dma_wait3A_574 : memref<1x128x64xf32, #tpu.memory_space<vmem>> -> memref<128x64xf32, #tpu.memory_space<vmem>>
      %dma_wait3A_576 = arith.constant 0 : i32
      %dma_wait3A_577 = tpu.memref_slice %arg7[%mul3A_271, %dma_wait3A_576] : memref<81920x64xf32, #tpu.memory_space<hbm>> -> memref<128x64xf32, #tpu.memory_space<hbm>>
      %dma_wait3A_578 = arith.constant 0 : i32
      %dma_wait3A_579 = tpu.memref_slice %arg7[%mul3A_271, %dma_wait3A_578] : memref<81920x64xf32, #tpu.memory_space<hbm>> -> memref<128x64xf32, #tpu.memory_space<hbm>>
      %dma_wait3A_580 = arith.constant 0 : i32
      %dma_wait3A_581 = arith.constant 0 : i32
      %dma_wait3A_582 = tpu.memref_slice %arg9[%dma_wait3A_571, %dma_wait3A_580, %dma_wait3A_581] : memref<5x128x64xf32, #tpu.memory_space<vmem>> -> memref<1x128x64xf32, #tpu.memory_space<vmem>>
      %dma_wait3A_583 = tpu.memref_squeeze %dma_wait3A_582 : memref<1x128x64xf32, #tpu.memory_space<vmem>> -> memref<128x64xf32, #tpu.memory_space<vmem>>
      tpu.wait_dma2 semaphore(%arg15 : memref<!tpu.dma_semaphore, #tpu.memory_space<semaphore_mem>>) src(%dma_wait3A_583 : memref<128x64xf32, #tpu.memory_space<vmem>>) dst(%dma_wait3A_579 : memref<128x64xf32, #tpu.memory_space<hbm>>)
      %add3A_584 = arith.constant 5 : i32
      %add3A_585 = arith.addi %add3A_542, %add3A_584 : i32
      %dma_start3A_586 = arith.constant 0 : i32
      %dma_start3A_587 = arith.constant 0 : i32
      %dma_start3A_588 = arith.constant 0 : i32
      %dma_start3A_589 = tpu.memref_slice %arg9[%dma_start3A_586, %dma_start3A_587, %dma_start3A_588] : memref<5x128x64xf32, #tpu.memory_space<vmem>> -> memref<1x128x64xf32, #tpu.memory_space<vmem>>
      %dma_start3A_590 = tpu.memref_squeeze %dma_start3A_589 : memref<1x128x64xf32, #tpu.memory_space<vmem>> -> memref<128x64xf32, #tpu.memory_space<vmem>>
      %dma_start3A_591 = arith.constant 0 : i32
      %dma_start3A_592 = tpu.memref_slice %arg8[%add3A_585, %dma_start3A_591] : memref<50x128xi32, #tpu.memory_space<vmem>> -> memref<1x128xi32, #tpu.memory_space<vmem>>
      %dma_start3A_593 = tpu.memref_squeeze %dma_start3A_592 : memref<1x128xi32, #tpu.memory_space<vmem>> -> memref<128xi32, #tpu.memory_space<vmem>>
      %dma_start3A_594 = arith.constant 0 : i32
      %dma_start3A_595 = arith.constant 0 : i32
      %dma_start3A_596 = tpu.memref_slice %arg5[%dma_start3A_594, %dma_start3A_595] : memref<200000x64xf32, #tpu.memory_space<hbm>> -> memref<200000x64xf32, #tpu.memory_space<hbm>>
      tpu.enqueue_indirect_dma source(%dma_start3A_596 : memref<200000x64xf32, #tpu.memory_space<hbm>>) target(%dma_start3A_590 : memref<128x64xf32, #tpu.memory_space<vmem>>) offsets(%dma_start3A_593 : memref<128xi32, #tpu.memory_space<vmem>>) semaphore(%arg10 : memref<!tpu.dma_semaphore, #tpu.memory_space<semaphore_mem>>)
      %mul3A_597 = arith.constant 5 : i32
      %mul3A_598 = arith.muli %scan3A_538, %mul3A_597 : i32
      %add3A_599 = arith.constant 1 : i32
      %add3A_600 = arith.addi %mul3A_598, %add3A_599 : i32
      %dma_wait3A_601 = arith.constant 0 : i32
      %dma_wait3A_602 = arith.constant 1 : i32
      %dma_wait3A_603 = arith.constant 0 : i32
      %dma_wait3A_604 = arith.constant 0 : i32
      %dma_wait3A_605 = tpu.memref_slice %arg9[%dma_wait3A_602, %dma_wait3A_603, %dma_wait3A_604] : memref<5x128x64xf32, #tpu.memory_space<vmem>> -> memref<1x128x64xf32, #tpu.memory_space<vmem>>
      %dma_wait3A_606 = tpu.memref_squeeze %dma_wait3A_605 : memref<1x128x64xf32, #tpu.memory_space<vmem>> -> memref<128x64xf32, #tpu.memory_space<vmem>>
      %dma_wait3A_607 = arith.constant 0 : i32
      %dma_wait3A_608 = tpu.memref_slice %arg8[%dma_wait3A_601, %dma_wait3A_607] : memref<50x128xi32, #tpu.memory_space<vmem>> -> memref<1x128xi32, #tpu.memory_space<vmem>>
      %dma_wait3A_609 = tpu.memref_squeeze %dma_wait3A_608 : memref<1x128xi32, #tpu.memory_space<vmem>> -> memref<128xi32, #tpu.memory_space<vmem>>
      %dma_wait3A_610 = arith.constant 0 : i32
      %dma_wait3A_611 = arith.constant 0 : i32
      %dma_wait3A_612 = tpu.memref_slice %arg5[%dma_wait3A_610, %dma_wait3A_611] : memref<200000x64xf32, #tpu.memory_space<hbm>> -> memref<200000x64xf32, #tpu.memory_space<hbm>>
      tpu.wait_indirect_dma semaphore(%arg11 : memref<!tpu.dma_semaphore, #tpu.memory_space<semaphore_mem>>) src(%dma_wait3A_612 : memref<200000x64xf32, #tpu.memory_space<hbm>>) dst(%dma_wait3A_606 : memref<128x64xf32, #tpu.memory_space<vmem>>)
      %mul3A_613 = arith.constant 128 : i32
      %mul3A_614 = arith.muli %add3A_600, %mul3A_613 : i32
      %add3A_615 = arith.addi %mul3A_271, %mul3A_614 : i32
      %dma_start3A_616 = arith.constant 1 : i32
      %dma_start3A_617 = arith.constant 0 : i32
      %dma_start3A_618 = arith.constant 0 : i32
      %dma_start3A_619 = tpu.memref_slice %arg9[%dma_start3A_616, %dma_start3A_617, %dma_start3A_618] : memref<5x128x64xf32, #tpu.memory_space<vmem>> -> memref<1x128x64xf32, #tpu.memory_space<vmem>>
      %dma_start3A_620 = tpu.memref_squeeze %dma_start3A_619 : memref<1x128x64xf32, #tpu.memory_space<vmem>> -> memref<128x64xf32, #tpu.memory_space<vmem>>
      %dma_start3A_621 = arith.constant 0 : i32
      %dma_start3A_622 = tpu.memref_slice %arg7[%add3A_615, %dma_start3A_621] : memref<81920x64xf32, #tpu.memory_space<hbm>> -> memref<128x64xf32, #tpu.memory_space<hbm>>
      %dma_start3A_623 = arith.constant 0 : i32
      %dma_start3A_624 = tpu.memref_slice %arg7[%add3A_615, %dma_start3A_623] : memref<81920x64xf32, #tpu.memory_space<hbm>> -> memref<128x64xf32, #tpu.memory_space<hbm>>
      %dma_start3A_625 = arith.constant 0 : i32
      %dma_start3A_626 = arith.constant 0 : i32
      %dma_start3A_627 = tpu.memref_slice %arg9[%dma_start3A_616, %dma_start3A_625, %dma_start3A_626] : memref<5x128x64xf32, #tpu.memory_space<vmem>> -> memref<1x128x64xf32, #tpu.memory_space<vmem>>
      %dma_start3A_628 = tpu.memref_squeeze %dma_start3A_627 : memref<1x128x64xf32, #tpu.memory_space<vmem>> -> memref<128x64xf32, #tpu.memory_space<vmem>>
      tpu.enqueue_dma source(%dma_start3A_628 : memref<128x64xf32, #tpu.memory_space<vmem>>) target(%dma_start3A_624 : memref<128x64xf32, #tpu.memory_space<hbm>>) target_semaphore(%arg16 : memref<!tpu.dma_semaphore, #tpu.memory_space<semaphore_mem>>)
      %dma_wait3A_629 = arith.constant 1 : i32
      %dma_wait3A_630 = arith.constant 0 : i32
      %dma_wait3A_631 = arith.constant 0 : i32
      %dma_wait3A_632 = tpu.memref_slice %arg9[%dma_wait3A_629, %dma_wait3A_630, %dma_wait3A_631] : memref<5x128x64xf32, #tpu.memory_space<vmem>> -> memref<1x128x64xf32, #tpu.memory_space<vmem>>
      %dma_wait3A_633 = tpu.memref_squeeze %dma_wait3A_632 : memref<1x128x64xf32, #tpu.memory_space<vmem>> -> memref<128x64xf32, #tpu.memory_space<vmem>>
      %dma_wait3A_634 = arith.constant 0 : i32
      %dma_wait3A_635 = tpu.memref_slice %arg7[%mul3A_271, %dma_wait3A_634] : memref<81920x64xf32, #tpu.memory_space<hbm>> -> memref<128x64xf32, #tpu.memory_space<hbm>>
      %dma_wait3A_636 = arith.constant 0 : i32
      %dma_wait3A_637 = tpu.memref_slice %arg7[%mul3A_271, %dma_wait3A_636] : memref<81920x64xf32, #tpu.memory_space<hbm>> -> memref<128x64xf32, #tpu.memory_space<hbm>>
      %dma_wait3A_638 = arith.constant 0 : i32
      %dma_wait3A_639 = arith.constant 0 : i32
      %dma_wait3A_640 = tpu.memref_slice %arg9[%dma_wait3A_629, %dma_wait3A_638, %dma_wait3A_639] : memref<5x128x64xf32, #tpu.memory_space<vmem>> -> memref<1x128x64xf32, #tpu.memory_space<vmem>>
      %dma_wait3A_641 = tpu.memref_squeeze %dma_wait3A_640 : memref<1x128x64xf32, #tpu.memory_space<vmem>> -> memref<128x64xf32, #tpu.memory_space<vmem>>
      tpu.wait_dma2 semaphore(%arg16 : memref<!tpu.dma_semaphore, #tpu.memory_space<semaphore_mem>>) src(%dma_wait3A_641 : memref<128x64xf32, #tpu.memory_space<vmem>>) dst(%dma_wait3A_637 : memref<128x64xf32, #tpu.memory_space<hbm>>)
      %add3A_642 = arith.constant 5 : i32
      %add3A_643 = arith.addi %add3A_600, %add3A_642 : i32
      %dma_start3A_644 = arith.constant 1 : i32
      %dma_start3A_645 = arith.constant 0 : i32
      %dma_start3A_646 = arith.constant 0 : i32
      %dma_start3A_647 = tpu.memref_slice %arg9[%dma_start3A_644, %dma_start3A_645, %dma_start3A_646] : memref<5x128x64xf32, #tpu.memory_space<vmem>> -> memref<1x128x64xf32, #tpu.memory_space<vmem>>
      %dma_start3A_648 = tpu.memref_squeeze %dma_start3A_647 : memref<1x128x64xf32, #tpu.memory_space<vmem>> -> memref<128x64xf32, #tpu.memory_space<vmem>>
      %dma_start3A_649 = arith.constant 0 : i32
      %dma_start3A_650 = tpu.memref_slice %arg8[%add3A_643, %dma_start3A_649] : memref<50x128xi32, #tpu.memory_space<vmem>> -> memref<1x128xi32, #tpu.memory_space<vmem>>
      %dma_start3A_651 = tpu.memref_squeeze %dma_start3A_650 : memref<1x128xi32, #tpu.memory_space<vmem>> -> memref<128xi32, #tpu.memory_space<vmem>>
      %dma_start3A_652 = arith.constant 0 : i32
      %dma_start3A_653 = arith.constant 0 : i32
      %dma_start3A_654 = tpu.memref_slice %arg5[%dma_start3A_652, %dma_start3A_653] : memref<200000x64xf32, #tpu.memory_space<hbm>> -> memref<200000x64xf32, #tpu.memory_space<hbm>>
      tpu.enqueue_indirect_dma source(%dma_start3A_654 : memref<200000x64xf32, #tpu.memory_space<hbm>>) target(%dma_start3A_648 : memref<128x64xf32, #tpu.memory_space<vmem>>) offsets(%dma_start3A_651 : memref<128xi32, #tpu.memory_space<vmem>>) semaphore(%arg11 : memref<!tpu.dma_semaphore, #tpu.memory_space<semaphore_mem>>)
      %mul3A_655 = arith.constant 5 : i32
      %mul3A_656 = arith.muli %scan3A_538, %mul3A_655 : i32
      %add3A_657 = arith.constant 2 : i32
      %add3A_658 = arith.addi %mul3A_656, %add3A_657 : i32
      %dma_wait3A_659 = arith.constant 0 : i32
      %dma_wait3A_660 = arith.constant 2 : i32
      %dma_wait3A_661 = arith.constant 0 : i32
      %dma_wait3A_662 = arith.constant 0 : i32
      %dma_wait3A_663 = tpu.memref_slice %arg9[%dma_wait3A_660, %dma_wait3A_661, %dma_wait3A_662] : memref<5x128x64xf32, #tpu.memory_space<vmem>> -> memref<1x128x64xf32, #tpu.memory_space<vmem>>
      %dma_wait3A_664 = tpu.memref_squeeze %dma_wait3A_663 : memref<1x128x64xf32, #tpu.memory_space<vmem>> -> memref<128x64xf32, #tpu.memory_space<vmem>>
      %dma_wait3A_665 = arith.constant 0 : i32
      %dma_wait3A_666 = tpu.memref_slice %arg8[%dma_wait3A_659, %dma_wait3A_665] : memref<50x128xi32, #tpu.memory_space<vmem>> -> memref<1x128xi32, #tpu.memory_space<vmem>>
      %dma_wait3A_667 = tpu.memref_squeeze %dma_wait3A_666 : memref<1x128xi32, #tpu.memory_space<vmem>> -> memref<128xi32, #tpu.memory_space<vmem>>
      %dma_wait3A_668 = arith.constant 0 : i32
      %dma_wait3A_669 = arith.constant 0 : i32
      %dma_wait3A_670 = tpu.memref_slice %arg5[%dma_wait3A_668, %dma_wait3A_669] : memref<200000x64xf32, #tpu.memory_space<hbm>> -> memref<200000x64xf32, #tpu.memory_space<hbm>>
      tpu.wait_indirect_dma semaphore(%arg12 : memref<!tpu.dma_semaphore, #tpu.memory_space<semaphore_mem>>) src(%dma_wait3A_670 : memref<200000x64xf32, #tpu.memory_space<hbm>>) dst(%dma_wait3A_664 : memref<128x64xf32, #tpu.memory_space<vmem>>)
      %mul3A_671 = arith.constant 128 : i32
      %mul3A_672 = arith.muli %add3A_658, %mul3A_671 : i32
      %add3A_673 = arith.addi %mul3A_271, %mul3A_672 : i32
      %dma_start3A_674 = arith.constant 2 : i32
      %dma_start3A_675 = arith.constant 0 : i32
      %dma_start3A_676 = arith.constant 0 : i32
      %dma_start3A_677 = tpu.memref_slice %arg9[%dma_start3A_674, %dma_start3A_675, %dma_start3A_676] : memref<5x128x64xf32, #tpu.memory_space<vmem>> -> memref<1x128x64xf32, #tpu.memory_space<vmem>>
      %dma_start3A_678 = tpu.memref_squeeze %dma_start3A_677 : memref<1x128x64xf32, #tpu.memory_space<vmem>> -> memref<128x64xf32, #tpu.memory_space<vmem>>
      %dma_start3A_679 = arith.constant 0 : i32
      %dma_start3A_680 = tpu.memref_slice %arg7[%add3A_673, %dma_start3A_679] : memref<81920x64xf32, #tpu.memory_space<hbm>> -> memref<128x64xf32, #tpu.memory_space<hbm>>
      %dma_start3A_681 = arith.constant 0 : i32
      %dma_start3A_682 = tpu.memref_slice %arg7[%add3A_673, %dma_start3A_681] : memref<81920x64xf32, #tpu.memory_space<hbm>> -> memref<128x64xf32, #tpu.memory_space<hbm>>
      %dma_start3A_683 = arith.constant 0 : i32
      %dma_start3A_684 = arith.constant 0 : i32
      %dma_start3A_685 = tpu.memref_slice %arg9[%dma_start3A_674, %dma_start3A_683, %dma_start3A_684] : memref<5x128x64xf32, #tpu.memory_space<vmem>> -> memref<1x128x64xf32, #tpu.memory_space<vmem>>
      %dma_start3A_686 = tpu.memref_squeeze %dma_start3A_685 : memref<1x128x64xf32, #tpu.memory_space<vmem>> -> memref<128x64xf32, #tpu.memory_space<vmem>>
      tpu.enqueue_dma source(%dma_start3A_686 : memref<128x64xf32, #tpu.memory_space<vmem>>) target(%dma_start3A_682 : memref<128x64xf32, #tpu.memory_space<hbm>>) target_semaphore(%arg17 : memref<!tpu.dma_semaphore, #tpu.memory_space<semaphore_mem>>)
      %dma_wait3A_687 = arith.constant 2 : i32
      %dma_wait3A_688 = arith.constant 0 : i32
      %dma_wait3A_689 = arith.constant 0 : i32
      %dma_wait3A_690 = tpu.memref_slice %arg9[%dma_wait3A_687, %dma_wait3A_688, %dma_wait3A_689] : memref<5x128x64xf32, #tpu.memory_space<vmem>> -> memref<1x128x64xf32, #tpu.memory_space<vmem>>
      %dma_wait3A_691 = tpu.memref_squeeze %dma_wait3A_690 : memref<1x128x64xf32, #tpu.memory_space<vmem>> -> memref<128x64xf32, #tpu.memory_space<vmem>>
      %dma_wait3A_692 = arith.constant 0 : i32
      %dma_wait3A_693 = tpu.memref_slice %arg7[%mul3A_271, %dma_wait3A_692] : memref<81920x64xf32, #tpu.memory_space<hbm>> -> memref<128x64xf32, #tpu.memory_space<hbm>>
      %dma_wait3A_694 = arith.constant 0 : i32
      %dma_wait3A_695 = tpu.memref_slice %arg7[%mul3A_271, %dma_wait3A_694] : memref<81920x64xf32, #tpu.memory_space<hbm>> -> memref<128x64xf32, #tpu.memory_space<hbm>>
      %dma_wait3A_696 = arith.constant 0 : i32
      %dma_wait3A_697 = arith.constant 0 : i32
      %dma_wait3A_698 = tpu.memref_slice %arg9[%dma_wait3A_687, %dma_wait3A_696, %dma_wait3A_697] : memref<5x128x64xf32, #tpu.memory_space<vmem>> -> memref<1x128x64xf32, #tpu.memory_space<vmem>>
      %dma_wait3A_699 = tpu.memref_squeeze %dma_wait3A_698 : memref<1x128x64xf32, #tpu.memory_space<vmem>> -> memref<128x64xf32, #tpu.memory_space<vmem>>
      tpu.wait_dma2 semaphore(%arg17 : memref<!tpu.dma_semaphore, #tpu.memory_space<semaphore_mem>>) src(%dma_wait3A_699 : memref<128x64xf32, #tpu.memory_space<vmem>>) dst(%dma_wait3A_695 : memref<128x64xf32, #tpu.memory_space<hbm>>)
      %add3A_700 = arith.constant 5 : i32
      %add3A_701 = arith.addi %add3A_658, %add3A_700 : i32
      %dma_start3A_702 = arith.constant 2 : i32
      %dma_start3A_703 = arith.constant 0 : i32
      %dma_start3A_704 = arith.constant 0 : i32
      %dma_start3A_705 = tpu.memref_slice %arg9[%dma_start3A_702, %dma_start3A_703, %dma_start3A_704] : memref<5x128x64xf32, #tpu.memory_space<vmem>> -> memref<1x128x64xf32, #tpu.memory_space<vmem>>
      %dma_start3A_706 = tpu.memref_squeeze %dma_start3A_705 : memref<1x128x64xf32, #tpu.memory_space<vmem>> -> memref<128x64xf32, #tpu.memory_space<vmem>>
      %dma_start3A_707 = arith.constant 0 : i32
      %dma_start3A_708 = tpu.memref_slice %arg8[%add3A_701, %dma_start3A_707] : memref<50x128xi32, #tpu.memory_space<vmem>> -> memref<1x128xi32, #tpu.memory_space<vmem>>
      %dma_start3A_709 = tpu.memref_squeeze %dma_start3A_708 : memref<1x128xi32, #tpu.memory_space<vmem>> -> memref<128xi32, #tpu.memory_space<vmem>>
      %dma_start3A_710 = arith.constant 0 : i32
      %dma_start3A_711 = arith.constant 0 : i32
      %dma_start3A_712 = tpu.memref_slice %arg5[%dma_start3A_710, %dma_start3A_711] : memref<200000x64xf32, #tpu.memory_space<hbm>> -> memref<200000x64xf32, #tpu.memory_space<hbm>>
      tpu.enqueue_indirect_dma source(%dma_start3A_712 : memref<200000x64xf32, #tpu.memory_space<hbm>>) target(%dma_start3A_706 : memref<128x64xf32, #tpu.memory_space<vmem>>) offsets(%dma_start3A_709 : memref<128xi32, #tpu.memory_space<vmem>>) semaphore(%arg12 : memref<!tpu.dma_semaphore, #tpu.memory_space<semaphore_mem>>)
      %mul3A_713 = arith.constant 5 : i32
      %mul3A_714 = arith.muli %scan3A_538, %mul3A_713 : i32
      %add3A_715 = arith.constant 3 : i32
      %add3A_716 = arith.addi %mul3A_714, %add3A_715 : i32
      %dma_wait3A_717 = arith.constant 0 : i32
      %dma_wait3A_718 = arith.constant 3 : i32
      %dma_wait3A_719 = arith.constant 0 : i32
      %dma_wait3A_720 = arith.constant 0 : i32
      %dma_wait3A_721 = tpu.memref_slice %arg9[%dma_wait3A_718, %dma_wait3A_719, %dma_wait3A_720] : memref<5x128x64xf32, #tpu.memory_space<vmem>> -> memref<1x128x64xf32, #tpu.memory_space<vmem>>
      %dma_wait3A_722 = tpu.memref_squeeze %dma_wait3A_721 : memref<1x128x64xf32, #tpu.memory_space<vmem>> -> memref<128x64xf32, #tpu.memory_space<vmem>>
      %dma_wait3A_723 = arith.constant 0 : i32
      %dma_wait3A_724 = tpu.memref_slice %arg8[%dma_wait3A_717, %dma_wait3A_723] : memref<50x128xi32, #tpu.memory_space<vmem>> -> memref<1x128xi32, #tpu.memory_space<vmem>>
      %dma_wait3A_725 = tpu.memref_squeeze %dma_wait3A_724 : memref<1x128xi32, #tpu.memory_space<vmem>> -> memref<128xi32, #tpu.memory_space<vmem>>
      %dma_wait3A_726 = arith.constant 0 : i32
      %dma_wait3A_727 = arith.constant 0 : i32
      %dma_wait3A_728 = tpu.memref_slice %arg5[%dma_wait3A_726, %dma_wait3A_727] : memref<200000x64xf32, #tpu.memory_space<hbm>> -> memref<200000x64xf32, #tpu.memory_space<hbm>>
      tpu.wait_indirect_dma semaphore(%arg13 : memref<!tpu.dma_semaphore, #tpu.memory_space<semaphore_mem>>) src(%dma_wait3A_728 : memref<200000x64xf32, #tpu.memory_space<hbm>>) dst(%dma_wait3A_722 : memref<128x64xf32, #tpu.memory_space<vmem>>)
      %mul3A_729 = arith.constant 128 : i32
      %mul3A_730 = arith.muli %add3A_716, %mul3A_729 : i32
      %add3A_731 = arith.addi %mul3A_271, %mul3A_730 : i32
      %dma_start3A_732 = arith.constant 3 : i32
      %dma_start3A_733 = arith.constant 0 : i32
      %dma_start3A_734 = arith.constant 0 : i32
      %dma_start3A_735 = tpu.memref_slice %arg9[%dma_start3A_732, %dma_start3A_733, %dma_start3A_734] : memref<5x128x64xf32, #tpu.memory_space<vmem>> -> memref<1x128x64xf32, #tpu.memory_space<vmem>>
      %dma_start3A_736 = tpu.memref_squeeze %dma_start3A_735 : memref<1x128x64xf32, #tpu.memory_space<vmem>> -> memref<128x64xf32, #tpu.memory_space<vmem>>
      %dma_start3A_737 = arith.constant 0 : i32
      %dma_start3A_738 = tpu.memref_slice %arg7[%add3A_731, %dma_start3A_737] : memref<81920x64xf32, #tpu.memory_space<hbm>> -> memref<128x64xf32, #tpu.memory_space<hbm>>
      %dma_start3A_739 = arith.constant 0 : i32
      %dma_start3A_740 = tpu.memref_slice %arg7[%add3A_731, %dma_start3A_739] : memref<81920x64xf32, #tpu.memory_space<hbm>> -> memref<128x64xf32, #tpu.memory_space<hbm>>
      %dma_start3A_741 = arith.constant 0 : i32
      %dma_start3A_742 = arith.constant 0 : i32
      %dma_start3A_743 = tpu.memref_slice %arg9[%dma_start3A_732, %dma_start3A_741, %dma_start3A_742] : memref<5x128x64xf32, #tpu.memory_space<vmem>> -> memref<1x128x64xf32, #tpu.memory_space<vmem>>
      %dma_start3A_744 = tpu.memref_squeeze %dma_start3A_743 : memref<1x128x64xf32, #tpu.memory_space<vmem>> -> memref<128x64xf32, #tpu.memory_space<vmem>>
      tpu.enqueue_dma source(%dma_start3A_744 : memref<128x64xf32, #tpu.memory_space<vmem>>) target(%dma_start3A_740 : memref<128x64xf32, #tpu.memory_space<hbm>>) target_semaphore(%arg18 : memref<!tpu.dma_semaphore, #tpu.memory_space<semaphore_mem>>)
      %dma_wait3A_745 = arith.constant 3 : i32
      %dma_wait3A_746 = arith.constant 0 : i32
      %dma_wait3A_747 = arith.constant 0 : i32
      %dma_wait3A_748 = tpu.memref_slice %arg9[%dma_wait3A_745, %dma_wait3A_746, %dma_wait3A_747] : memref<5x128x64xf32, #tpu.memory_space<vmem>> -> memref<1x128x64xf32, #tpu.memory_space<vmem>>
      %dma_wait3A_749 = tpu.memref_squeeze %dma_wait3A_748 : memref<1x128x64xf32, #tpu.memory_space<vmem>> -> memref<128x64xf32, #tpu.memory_space<vmem>>
      %dma_wait3A_750 = arith.constant 0 : i32
      %dma_wait3A_751 = tpu.memref_slice %arg7[%mul3A_271, %dma_wait3A_750] : memref<81920x64xf32, #tpu.memory_space<hbm>> -> memref<128x64xf32, #tpu.memory_space<hbm>>
      %dma_wait3A_752 = arith.constant 0 : i32
      %dma_wait3A_753 = tpu.memref_slice %arg7[%mul3A_271, %dma_wait3A_752] : memref<81920x64xf32, #tpu.memory_space<hbm>> -> memref<128x64xf32, #tpu.memory_space<hbm>>
      %dma_wait3A_754 = arith.constant 0 : i32
      %dma_wait3A_755 = arith.constant 0 : i32
      %dma_wait3A_756 = tpu.memref_slice %arg9[%dma_wait3A_745, %dma_wait3A_754, %dma_wait3A_755] : memref<5x128x64xf32, #tpu.memory_space<vmem>> -> memref<1x128x64xf32, #tpu.memory_space<vmem>>
      %dma_wait3A_757 = tpu.memref_squeeze %dma_wait3A_756 : memref<1x128x64xf32, #tpu.memory_space<vmem>> -> memref<128x64xf32, #tpu.memory_space<vmem>>
      tpu.wait_dma2 semaphore(%arg18 : memref<!tpu.dma_semaphore, #tpu.memory_space<semaphore_mem>>) src(%dma_wait3A_757 : memref<128x64xf32, #tpu.memory_space<vmem>>) dst(%dma_wait3A_753 : memref<128x64xf32, #tpu.memory_space<hbm>>)
      %add3A_758 = arith.constant 5 : i32
      %add3A_759 = arith.addi %add3A_716, %add3A_758 : i32
      %dma_start3A_760 = arith.constant 3 : i32
      %dma_start3A_761 = arith.constant 0 : i32
      %dma_start3A_762 = arith.constant 0 : i32
      %dma_start3A_763 = tpu.memref_slice %arg9[%dma_start3A_760, %dma_start3A_761, %dma_start3A_762] : memref<5x128x64xf32, #tpu.memory_space<vmem>> -> memref<1x128x64xf32, #tpu.memory_space<vmem>>
      %dma_start3A_764 = tpu.memref_squeeze %dma_start3A_763 : memref<1x128x64xf32, #tpu.memory_space<vmem>> -> memref<128x64xf32, #tpu.memory_space<vmem>>
      %dma_start3A_765 = arith.constant 0 : i32
      %dma_start3A_766 = tpu.memref_slice %arg8[%add3A_759, %dma_start3A_765] : memref<50x128xi32, #tpu.memory_space<vmem>> -> memref<1x128xi32, #tpu.memory_space<vmem>>
      %dma_start3A_767 = tpu.memref_squeeze %dma_start3A_766 : memref<1x128xi32, #tpu.memory_space<vmem>> -> memref<128xi32, #tpu.memory_space<vmem>>
      %dma_start3A_768 = arith.constant 0 : i32
      %dma_start3A_769 = arith.constant 0 : i32
      %dma_start3A_770 = tpu.memref_slice %arg5[%dma_start3A_768, %dma_start3A_769] : memref<200000x64xf32, #tpu.memory_space<hbm>> -> memref<200000x64xf32, #tpu.memory_space<hbm>>
      tpu.enqueue_indirect_dma source(%dma_start3A_770 : memref<200000x64xf32, #tpu.memory_space<hbm>>) target(%dma_start3A_764 : memref<128x64xf32, #tpu.memory_space<vmem>>) offsets(%dma_start3A_767 : memref<128xi32, #tpu.memory_space<vmem>>) semaphore(%arg13 : memref<!tpu.dma_semaphore, #tpu.memory_space<semaphore_mem>>)
      %mul3A_771 = arith.constant 5 : i32
      %mul3A_772 = arith.muli %scan3A_538, %mul3A_771 : i32
      %add3A_773 = arith.constant 4 : i32
      %add3A_774 = arith.addi %mul3A_772, %add3A_773 : i32
      %dma_wait3A_775 = arith.constant 0 : i32
      %dma_wait3A_776 = arith.constant 4 : i32
      %dma_wait3A_777 = arith.constant 0 : i32
      %dma_wait3A_778 = arith.constant 0 : i32
      %dma_wait3A_779 = tpu.memref_slice %arg9[%dma_wait3A_776, %dma_wait3A_777, %dma_wait3A_778] : memref<5x128x64xf32, #tpu.memory_space<vmem>> -> memref<1x128x64xf32, #tpu.memory_space<vmem>>
      %dma_wait3A_780 = tpu.memref_squeeze %dma_wait3A_779 : memref<1x128x64xf32, #tpu.memory_space<vmem>> -> memref<128x64xf32, #tpu.memory_space<vmem>>
      %dma_wait3A_781 = arith.constant 0 : i32
      %dma_wait3A_782 = tpu.memref_slice %arg8[%dma_wait3A_775, %dma_wait3A_781] : memref<50x128xi32, #tpu.memory_space<vmem>> -> memref<1x128xi32, #tpu.memory_space<vmem>>
      %dma_wait3A_783 = tpu.memref_squeeze %dma_wait3A_782 : memref<1x128xi32, #tpu.memory_space<vmem>> -> memref<128xi32, #tpu.memory_space<vmem>>
      %dma_wait3A_784 = arith.constant 0 : i32
      %dma_wait3A_785 = arith.constant 0 : i32
      %dma_wait3A_786 = tpu.memref_slice %arg5[%dma_wait3A_784, %dma_wait3A_785] : memref<200000x64xf32, #tpu.memory_space<hbm>> -> memref<200000x64xf32, #tpu.memory_space<hbm>>
      tpu.wait_indirect_dma semaphore(%arg14 : memref<!tpu.dma_semaphore, #tpu.memory_space<semaphore_mem>>) src(%dma_wait3A_786 : memref<200000x64xf32, #tpu.memory_space<hbm>>) dst(%dma_wait3A_780 : memref<128x64xf32, #tpu.memory_space<vmem>>)
      %mul3A_787 = arith.constant 128 : i32
      %mul3A_788 = arith.muli %add3A_774, %mul3A_787 : i32
      %add3A_789 = arith.addi %mul3A_271, %mul3A_788 : i32
      %dma_start3A_790 = arith.constant 4 : i32
      %dma_start3A_791 = arith.constant 0 : i32
      %dma_start3A_792 = arith.constant 0 : i32
      %dma_start3A_793 = tpu.memref_slice %arg9[%dma_start3A_790, %dma_start3A_791, %dma_start3A_792] : memref<5x128x64xf32, #tpu.memory_space<vmem>> -> memref<1x128x64xf32, #tpu.memory_space<vmem>>
      %dma_start3A_794 = tpu.memref_squeeze %dma_start3A_793 : memref<1x128x64xf32, #tpu.memory_space<vmem>> -> memref<128x64xf32, #tpu.memory_space<vmem>>
      %dma_start3A_795 = arith.constant 0 : i32
      %dma_start3A_796 = tpu.memref_slice %arg7[%add3A_789, %dma_start3A_795] : memref<81920x64xf32, #tpu.memory_space<hbm>> -> memref<128x64xf32, #tpu.memory_space<hbm>>
      %dma_start3A_797 = arith.constant 0 : i32
      %dma_start3A_798 = tpu.memref_slice %arg7[%add3A_789, %dma_start3A_797] : memref<81920x64xf32, #tpu.memory_space<hbm>> -> memref<128x64xf32, #tpu.memory_space<hbm>>
      %dma_start3A_799 = arith.constant 0 : i32
      %dma_start3A_800 = arith.constant 0 : i32
      %dma_start3A_801 = tpu.memref_slice %arg9[%dma_start3A_790, %dma_start3A_799, %dma_start3A_800] : memref<5x128x64xf32, #tpu.memory_space<vmem>> -> memref<1x128x64xf32, #tpu.memory_space<vmem>>
      %dma_start3A_802 = tpu.memref_squeeze %dma_start3A_801 : memref<1x128x64xf32, #tpu.memory_space<vmem>> -> memref<128x64xf32, #tpu.memory_space<vmem>>
      tpu.enqueue_dma source(%dma_start3A_802 : memref<128x64xf32, #tpu.memory_space<vmem>>) target(%dma_start3A_798 : memref<128x64xf32, #tpu.memory_space<hbm>>) target_semaphore(%arg19 : memref<!tpu.dma_semaphore, #tpu.memory_space<semaphore_mem>>)
      %dma_wait3A_803 = arith.constant 4 : i32
      %dma_wait3A_804 = arith.constant 0 : i32
      %dma_wait3A_805 = arith.constant 0 : i32
      %dma_wait3A_806 = tpu.memref_slice %arg9[%dma_wait3A_803, %dma_wait3A_804, %dma_wait3A_805] : memref<5x128x64xf32, #tpu.memory_space<vmem>> -> memref<1x128x64xf32, #tpu.memory_space<vmem>>
      %dma_wait3A_807 = tpu.memref_squeeze %dma_wait3A_806 : memref<1x128x64xf32, #tpu.memory_space<vmem>> -> memref<128x64xf32, #tpu.memory_space<vmem>>
      %dma_wait3A_808 = arith.constant 0 : i32
      %dma_wait3A_809 = tpu.memref_slice %arg7[%mul3A_271, %dma_wait3A_808] : memref<81920x64xf32, #tpu.memory_space<hbm>> -> memref<128x64xf32, #tpu.memory_space<hbm>>
      %dma_wait3A_810 = arith.constant 0 : i32
      %dma_wait3A_811 = tpu.memref_slice %arg7[%mul3A_271, %dma_wait3A_810] : memref<81920x64xf32, #tpu.memory_space<hbm>> -> memref<128x64xf32, #tpu.memory_space<hbm>>
      %dma_wait3A_812 = arith.constant 0 : i32
      %dma_wait3A_813 = arith.constant 0 : i32
      %dma_wait3A_814 = tpu.memref_slice %arg9[%dma_wait3A_803, %dma_wait3A_812, %dma_wait3A_813] : memref<5x128x64xf32, #tpu.memory_space<vmem>> -> memref<1x128x64xf32, #tpu.memory_space<vmem>>
      %dma_wait3A_815 = tpu.memref_squeeze %dma_wait3A_814 : memref<1x128x64xf32, #tpu.memory_space<vmem>> -> memref<128x64xf32, #tpu.memory_space<vmem>>
      tpu.wait_dma2 semaphore(%arg19 : memref<!tpu.dma_semaphore, #tpu.memory_space<semaphore_mem>>) src(%dma_wait3A_815 : memref<128x64xf32, #tpu.memory_space<vmem>>) dst(%dma_wait3A_811 : memref<128x64xf32, #tpu.memory_space<hbm>>)
      %add3A_816 = arith.constant 5 : i32
      %add3A_817 = arith.addi %add3A_774, %add3A_816 : i32
      %dma_start3A_818 = arith.constant 4 : i32
      %dma_start3A_819 = arith.constant 0 : i32
      %dma_start3A_820 = arith.constant 0 : i32
      %dma_start3A_821 = tpu.memref_slice %arg9[%dma_start3A_818, %dma_start3A_819, %dma_start3A_820] : memref<5x128x64xf32, #tpu.memory_space<vmem>> -> memref<1x128x64xf32, #tpu.memory_space<vmem>>
      %dma_start3A_822 = tpu.memref_squeeze %dma_start3A_821 : memref<1x128x64xf32, #tpu.memory_space<vmem>> -> memref<128x64xf32, #tpu.memory_space<vmem>>
      %dma_start3A_823 = arith.constant 0 : i32
      %dma_start3A_824 = tpu.memref_slice %arg8[%add3A_817, %dma_start3A_823] : memref<50x128xi32, #tpu.memory_space<vmem>> -> memref<1x128xi32, #tpu.memory_space<vmem>>
      %dma_start3A_825 = tpu.memref_squeeze %dma_start3A_824 : memref<1x128xi32, #tpu.memory_space<vmem>> -> memref<128xi32, #tpu.memory_space<vmem>>
      %dma_start3A_826 = arith.constant 0 : i32
      %dma_start3A_827 = arith.constant 0 : i32
      %dma_start3A_828 = tpu.memref_slice %arg5[%dma_start3A_826, %dma_start3A_827] : memref<200000x64xf32, #tpu.memory_space<hbm>> -> memref<200000x64xf32, #tpu.memory_space<hbm>>
      tpu.enqueue_indirect_dma source(%dma_start3A_828 : memref<200000x64xf32, #tpu.memory_space<hbm>>) target(%dma_start3A_822 : memref<128x64xf32, #tpu.memory_space<vmem>>) offsets(%dma_start3A_825 : memref<128xi32, #tpu.memory_space<vmem>>) semaphore(%arg14 : memref<!tpu.dma_semaphore, #tpu.memory_space<semaphore_mem>>)
    }
    %scan3A_337 = arith.constant 3 : i32
    %dma_wait3A_338 = arith.constant 0 : i32
    %dma_wait3A_339 = arith.constant 0 : i32
    %dma_wait3A_340 = arith.constant 0 : i32
    %dma_wait3A_341 = arith.constant 0 : i32
    %dma_wait3A_342 = tpu.memref_slice %arg9[%dma_wait3A_339, %dma_wait3A_340, %dma_wait3A_341] : memref<5x128x64xf32, #tpu.memory_space<vmem>> -> memref<1x128x64xf32, #tpu.memory_space<vmem>>
    %dma_wait3A_343 = tpu.memref_squeeze %dma_wait3A_342 : memref<1x128x64xf32, #tpu.memory_space<vmem>> -> memref<128x64xf32, #tpu.memory_space<vmem>>
    %dma_wait3A_344 = arith.constant 0 : i32
    %dma_wait3A_345 = tpu.memref_slice %arg8[%dma_wait3A_338, %dma_wait3A_344] : memref<50x128xi32, #tpu.memory_space<vmem>> -> memref<1x128xi32, #tpu.memory_space<vmem>>
    %dma_wait3A_346 = tpu.memref_squeeze %dma_wait3A_345 : memref<1x128xi32, #tpu.memory_space<vmem>> -> memref<128xi32, #tpu.memory_space<vmem>>
    %dma_wait3A_347 = arith.constant 0 : i32
    %dma_wait3A_348 = arith.constant 0 : i32
    %dma_wait3A_349 = tpu.memref_slice %arg5[%dma_wait3A_347, %dma_wait3A_348] : memref<200000x64xf32, #tpu.memory_space<hbm>> -> memref<200000x64xf32, #tpu.memory_space<hbm>>
    tpu.wait_indirect_dma semaphore(%arg10 : memref<!tpu.dma_semaphore, #tpu.memory_space<semaphore_mem>>) src(%dma_wait3A_349 : memref<200000x64xf32, #tpu.memory_space<hbm>>) dst(%dma_wait3A_343 : memref<128x64xf32, #tpu.memory_space<vmem>>)
    %add3A_350 = arith.constant 1920 : i32
    %add3A_351 = arith.addi %mul3A_271, %add3A_350 : i32
    %dma_start3A_352 = arith.constant 0 : i32
    %dma_start3A_353 = arith.constant 0 : i32
    %dma_start3A_354 = arith.constant 0 : i32
    %dma_start3A_355 = tpu.memref_slice %arg9[%dma_start3A_352, %dma_start3A_353, %dma_start3A_354] : memref<5x128x64xf32, #tpu.memory_space<vmem>> -> memref<1x128x64xf32, #tpu.memory_space<vmem>>
    %dma_start3A_356 = tpu.memref_squeeze %dma_start3A_355 : memref<1x128x64xf32, #tpu.memory_space<vmem>> -> memref<128x64xf32, #tpu.memory_space<vmem>>
    %dma_start3A_357 = arith.constant 0 : i32
    %dma_start3A_358 = tpu.memref_slice %arg7[%add3A_351, %dma_start3A_357] : memref<81920x64xf32, #tpu.memory_space<hbm>> -> memref<128x64xf32, #tpu.memory_space<hbm>>
    %dma_start3A_359 = arith.constant 0 : i32
    %dma_start3A_360 = tpu.memref_slice %arg7[%add3A_351, %dma_start3A_359] : memref<81920x64xf32, #tpu.memory_space<hbm>> -> memref<128x64xf32, #tpu.memory_space<hbm>>
    %dma_start3A_361 = arith.constant 0 : i32
    %dma_start3A_362 = arith.constant 0 : i32
    %dma_start3A_363 = tpu.memref_slice %arg9[%dma_start3A_352, %dma_start3A_361, %dma_start3A_362] : memref<5x128x64xf32, #tpu.memory_space<vmem>> -> memref<1x128x64xf32, #tpu.memory_space<vmem>>
    %dma_start3A_364 = tpu.memref_squeeze %dma_start3A_363 : memref<1x128x64xf32, #tpu.memory_space<vmem>> -> memref<128x64xf32, #tpu.memory_space<vmem>>
    tpu.enqueue_dma source(%dma_start3A_364 : memref<128x64xf32, #tpu.memory_space<vmem>>) target(%dma_start3A_360 : memref<128x64xf32, #tpu.memory_space<hbm>>) target_semaphore(%arg15 : memref<!tpu.dma_semaphore, #tpu.memory_space<semaphore_mem>>)
    %dma_wait3A_365 = arith.constant 0 : i32
    %dma_wait3A_366 = arith.constant 0 : i32
    %dma_wait3A_367 = arith.constant 0 : i32
    %dma_wait3A_368 = tpu.memref_slice %arg9[%dma_wait3A_365, %dma_wait3A_366, %dma_wait3A_367] : memref<5x128x64xf32, #tpu.memory_space<vmem>> -> memref<1x128x64xf32, #tpu.memory_space<vmem>>
    %dma_wait3A_369 = tpu.memref_squeeze %dma_wait3A_368 : memref<1x128x64xf32, #tpu.memory_space<vmem>> -> memref<128x64xf32, #tpu.memory_space<vmem>>
    %dma_wait3A_370 = arith.constant 0 : i32
    %dma_wait3A_371 = tpu.memref_slice %arg7[%mul3A_271, %dma_wait3A_370] : memref<81920x64xf32, #tpu.memory_space<hbm>> -> memref<128x64xf32, #tpu.memory_space<hbm>>
    %dma_wait3A_372 = arith.constant 0 : i32
    %dma_wait3A_373 = tpu.memref_slice %arg7[%mul3A_271, %dma_wait3A_372] : memref<81920x64xf32, #tpu.memory_space<hbm>> -> memref<128x64xf32, #tpu.memory_space<hbm>>
    %dma_wait3A_374 = arith.constant 0 : i32
    %dma_wait3A_375 = arith.constant 0 : i32
    %dma_wait3A_376 = tpu.memref_slice %arg9[%dma_wait3A_365, %dma_wait3A_374, %dma_wait3A_375] : memref<5x128x64xf32, #tpu.memory_space<vmem>> -> memref<1x128x64xf32, #tpu.memory_space<vmem>>
    %dma_wait3A_377 = tpu.memref_squeeze %dma_wait3A_376 : memref<1x128x64xf32, #tpu.memory_space<vmem>> -> memref<128x64xf32, #tpu.memory_space<vmem>>
    tpu.wait_dma2 semaphore(%arg15 : memref<!tpu.dma_semaphore, #tpu.memory_space<semaphore_mem>>) src(%dma_wait3A_377 : memref<128x64xf32, #tpu.memory_space<vmem>>) dst(%dma_wait3A_373 : memref<128x64xf32, #tpu.memory_space<hbm>>)
    %dma_wait3A_378 = arith.constant 0 : i32
    %dma_wait3A_379 = arith.constant 1 : i32
    %dma_wait3A_380 = arith.constant 0 : i32
    %dma_wait3A_381 = arith.constant 0 : i32
    %dma_wait3A_382 = tpu.memref_slice %arg9[%dma_wait3A_379, %dma_wait3A_380, %dma_wait3A_381] : memref<5x128x64xf32, #tpu.memory_space<vmem>> -> memref<1x128x64xf32, #tpu.memory_space<vmem>>
    %dma_wait3A_383 = tpu.memref_squeeze %dma_wait3A_382 : memref<1x128x64xf32, #tpu.memory_space<vmem>> -> memref<128x64xf32, #tpu.memory_space<vmem>>
    %dma_wait3A_384 = arith.constant 0 : i32
    %dma_wait3A_385 = tpu.memref_slice %arg8[%dma_wait3A_378, %dma_wait3A_384] : memref<50x128xi32, #tpu.memory_space<vmem>> -> memref<1x128xi32, #tpu.memory_space<vmem>>
    %dma_wait3A_386 = tpu.memref_squeeze %dma_wait3A_385 : memref<1x128xi32, #tpu.memory_space<vmem>> -> memref<128xi32, #tpu.memory_space<vmem>>
    %dma_wait3A_387 = arith.constant 0 : i32
    %dma_wait3A_388 = arith.constant 0 : i32
    %dma_wait3A_389 = tpu.memref_slice %arg5[%dma_wait3A_387, %dma_wait3A_388] : memref<200000x64xf32, #tpu.memory_space<hbm>> -> memref<200000x64xf32, #tpu.memory_space<hbm>>
    tpu.wait_indirect_dma semaphore(%arg11 : memref<!tpu.dma_semaphore, #tpu.memory_space<semaphore_mem>>) src(%dma_wait3A_389 : memref<200000x64xf32, #tpu.memory_space<hbm>>) dst(%dma_wait3A_383 : memref<128x64xf32, #tpu.memory_space<vmem>>)
    %add3A_390 = arith.constant 2048 : i32
    %add3A_391 = arith.addi %mul3A_271, %add3A_390 : i32
    %dma_start3A_392 = arith.constant 1 : i32
    %dma_start3A_393 = arith.constant 0 : i32
    %dma_start3A_394 = arith.constant 0 : i32
    %dma_start3A_395 = tpu.memref_slice %arg9[%dma_start3A_392, %dma_start3A_393, %dma_start3A_394] : memref<5x128x64xf32, #tpu.memory_space<vmem>> -> memref<1x128x64xf32, #tpu.memory_space<vmem>>
    %dma_start3A_396 = tpu.memref_squeeze %dma_start3A_395 : memref<1x128x64xf32, #tpu.memory_space<vmem>> -> memref<128x64xf32, #tpu.memory_space<vmem>>
    %dma_start3A_397 = arith.constant 0 : i32
    %dma_start3A_398 = tpu.memref_slice %arg7[%add3A_391, %dma_start3A_397] : memref<81920x64xf32, #tpu.memory_space<hbm>> -> memref<128x64xf32, #tpu.memory_space<hbm>>
    %dma_start3A_399 = arith.constant 0 : i32
    %dma_start3A_400 = tpu.memref_slice %arg7[%add3A_391, %dma_start3A_399] : memref<81920x64xf32, #tpu.memory_space<hbm>> -> memref<128x64xf32, #tpu.memory_space<hbm>>
    %dma_start3A_401 = arith.constant 0 : i32
    %dma_start3A_402 = arith.constant 0 : i32
    %dma_start3A_403 = tpu.memref_slice %arg9[%dma_start3A_392, %dma_start3A_401, %dma_start3A_402] : memref<5x128x64xf32, #tpu.memory_space<vmem>> -> memref<1x128x64xf32, #tpu.memory_space<vmem>>
    %dma_start3A_404 = tpu.memref_squeeze %dma_start3A_403 : memref<1x128x64xf32, #tpu.memory_space<vmem>> -> memref<128x64xf32, #tpu.memory_space<vmem>>
    tpu.enqueue_dma source(%dma_start3A_404 : memref<128x64xf32, #tpu.memory_space<vmem>>) target(%dma_start3A_400 : memref<128x64xf32, #tpu.memory_space<hbm>>) target_semaphore(%arg16 : memref<!tpu.dma_semaphore, #tpu.memory_space<semaphore_mem>>)
    %dma_wait3A_405 = arith.constant 1 : i32
    %dma_wait3A_406 = arith.constant 0 : i32
    %dma_wait3A_407 = arith.constant 0 : i32
    %dma_wait3A_408 = tpu.memref_slice %arg9[%dma_wait3A_405, %dma_wait3A_406, %dma_wait3A_407] : memref<5x128x64xf32, #tpu.memory_space<vmem>> -> memref<1x128x64xf32, #tpu.memory_space<vmem>>
    %dma_wait3A_409 = tpu.memref_squeeze %dma_wait3A_408 : memref<1x128x64xf32, #tpu.memory_space<vmem>> -> memref<128x64xf32, #tpu.memory_space<vmem>>
    %dma_wait3A_410 = arith.constant 0 : i32
    %dma_wait3A_411 = tpu.memref_slice %arg7[%mul3A_271, %dma_wait3A_410] : memref<81920x64xf32, #tpu.memory_space<hbm>> -> memref<128x64xf32, #tpu.memory_space<hbm>>
    %dma_wait3A_412 = arith.constant 0 : i32
    %dma_wait3A_413 = tpu.memref_slice %arg7[%mul3A_271, %dma_wait3A_412] : memref<81920x64xf32, #tpu.memory_space<hbm>> -> memref<128x64xf32, #tpu.memory_space<hbm>>
    %dma_wait3A_414 = arith.constant 0 : i32
    %dma_wait3A_415 = arith.constant 0 : i32
    %dma_wait3A_416 = tpu.memref_slice %arg9[%dma_wait3A_405, %dma_wait3A_414, %dma_wait3A_415] : memref<5x128x64xf32, #tpu.memory_space<vmem>> -> memref<1x128x64xf32, #tpu.memory_space<vmem>>
    %dma_wait3A_417 = tpu.memref_squeeze %dma_wait3A_416 : memref<1x128x64xf32, #tpu.memory_space<vmem>> -> memref<128x64xf32, #tpu.memory_space<vmem>>
    tpu.wait_dma2 semaphore(%arg16 : memref<!tpu.dma_semaphore, #tpu.memory_space<semaphore_mem>>) src(%dma_wait3A_417 : memref<128x64xf32, #tpu.memory_space<vmem>>) dst(%dma_wait3A_413 : memref<128x64xf32, #tpu.memory_space<hbm>>)
    %dma_wait3A_418 = arith.constant 0 : i32
    %dma_wait3A_419 = arith.constant 2 : i32
    %dma_wait3A_420 = arith.constant 0 : i32
    %dma_wait3A_421 = arith.constant 0 : i32
    %dma_wait3A_422 = tpu.memref_slice %arg9[%dma_wait3A_419, %dma_wait3A_420, %dma_wait3A_421] : memref<5x128x64xf32, #tpu.memory_space<vmem>> -> memref<1x128x64xf32, #tpu.memory_space<vmem>>
    %dma_wait3A_423 = tpu.memref_squeeze %dma_wait3A_422 : memref<1x128x64xf32, #tpu.memory_space<vmem>> -> memref<128x64xf32, #tpu.memory_space<vmem>>
    %dma_wait3A_424 = arith.constant 0 : i32
    %dma_wait3A_425 = tpu.memref_slice %arg8[%dma_wait3A_418, %dma_wait3A_424] : memref<50x128xi32, #tpu.memory_space<vmem>> -> memref<1x128xi32, #tpu.memory_space<vmem>>
    %dma_wait3A_426 = tpu.memref_squeeze %dma_wait3A_425 : memref<1x128xi32, #tpu.memory_space<vmem>> -> memref<128xi32, #tpu.memory_space<vmem>>
    %dma_wait3A_427 = arith.constant 0 : i32
    %dma_wait3A_428 = arith.constant 0 : i32
    %dma_wait3A_429 = tpu.memref_slice %arg5[%dma_wait3A_427, %dma_wait3A_428] : memref<200000x64xf32, #tpu.memory_space<hbm>> -> memref<200000x64xf32, #tpu.memory_space<hbm>>
    tpu.wait_indirect_dma semaphore(%arg12 : memref<!tpu.dma_semaphore, #tpu.memory_space<semaphore_mem>>) src(%dma_wait3A_429 : memref<200000x64xf32, #tpu.memory_space<hbm>>) dst(%dma_wait3A_423 : memref<128x64xf32, #tpu.memory_space<vmem>>)
    %add3A_430 = arith.constant 2176 : i32
    %add3A_431 = arith.addi %mul3A_271, %add3A_430 : i32
    %dma_start3A_432 = arith.constant 2 : i32
    %dma_start3A_433 = arith.constant 0 : i32
    %dma_start3A_434 = arith.constant 0 : i32
    %dma_start3A_435 = tpu.memref_slice %arg9[%dma_start3A_432, %dma_start3A_433, %dma_start3A_434] : memref<5x128x64xf32, #tpu.memory_space<vmem>> -> memref<1x128x64xf32, #tpu.memory_space<vmem>>
    %dma_start3A_436 = tpu.memref_squeeze %dma_start3A_435 : memref<1x128x64xf32, #tpu.memory_space<vmem>> -> memref<128x64xf32, #tpu.memory_space<vmem>>
    %dma_start3A_437 = arith.constant 0 : i32
    %dma_start3A_438 = tpu.memref_slice %arg7[%add3A_431, %dma_start3A_437] : memref<81920x64xf32, #tpu.memory_space<hbm>> -> memref<128x64xf32, #tpu.memory_space<hbm>>
    %dma_start3A_439 = arith.constant 0 : i32
    %dma_start3A_440 = tpu.memref_slice %arg7[%add3A_431, %dma_start3A_439] : memref<81920x64xf32, #tpu.memory_space<hbm>> -> memref<128x64xf32, #tpu.memory_space<hbm>>
    %dma_start3A_441 = arith.constant 0 : i32
    %dma_start3A_442 = arith.constant 0 : i32
    %dma_start3A_443 = tpu.memref_slice %arg9[%dma_start3A_432, %dma_start3A_441, %dma_start3A_442] : memref<5x128x64xf32, #tpu.memory_space<vmem>> -> memref<1x128x64xf32, #tpu.memory_space<vmem>>
    %dma_start3A_444 = tpu.memref_squeeze %dma_start3A_443 : memref<1x128x64xf32, #tpu.memory_space<vmem>> -> memref<128x64xf32, #tpu.memory_space<vmem>>
    tpu.enqueue_dma source(%dma_start3A_444 : memref<128x64xf32, #tpu.memory_space<vmem>>) target(%dma_start3A_440 : memref<128x64xf32, #tpu.memory_space<hbm>>) target_semaphore(%arg17 : memref<!tpu.dma_semaphore, #tpu.memory_space<semaphore_mem>>)
    %dma_wait3A_445 = arith.constant 2 : i32
    %dma_wait3A_446 = arith.constant 0 : i32
    %dma_wait3A_447 = arith.constant 0 : i32
    %dma_wait3A_448 = tpu.memref_slice %arg9[%dma_wait3A_445, %dma_wait3A_446, %dma_wait3A_447] : memref<5x128x64xf32, #tpu.memory_space<vmem>> -> memref<1x128x64xf32, #tpu.memory_space<vmem>>
    %dma_wait3A_449 = tpu.memref_squeeze %dma_wait3A_448 : memref<1x128x64xf32, #tpu.memory_space<vmem>> -> memref<128x64xf32, #tpu.memory_space<vmem>>
    %dma_wait3A_450 = arith.constant 0 : i32
    %dma_wait3A_451 = tpu.memref_slice %arg7[%mul3A_271, %dma_wait3A_450] : memref<81920x64xf32, #tpu.memory_space<hbm>> -> memref<128x64xf32, #tpu.memory_space<hbm>>
    %dma_wait3A_452 = arith.constant 0 : i32
    %dma_wait3A_453 = tpu.memref_slice %arg7[%mul3A_271, %dma_wait3A_452] : memref<81920x64xf32, #tpu.memory_space<hbm>> -> memref<128x64xf32, #tpu.memory_space<hbm>>
    %dma_wait3A_454 = arith.constant 0 : i32
    %dma_wait3A_455 = arith.constant 0 : i32
    %dma_wait3A_456 = tpu.memref_slice %arg9[%dma_wait3A_445, %dma_wait3A_454, %dma_wait3A_455] : memref<5x128x64xf32, #tpu.memory_space<vmem>> -> memref<1x128x64xf32, #tpu.memory_space<vmem>>
    %dma_wait3A_457 = tpu.memref_squeeze %dma_wait3A_456 : memref<1x128x64xf32, #tpu.memory_space<vmem>> -> memref<128x64xf32, #tpu.memory_space<vmem>>
    tpu.wait_dma2 semaphore(%arg17 : memref<!tpu.dma_semaphore, #tpu.memory_space<semaphore_mem>>) src(%dma_wait3A_457 : memref<128x64xf32, #tpu.memory_space<vmem>>) dst(%dma_wait3A_453 : memref<128x64xf32, #tpu.memory_space<hbm>>)
    %dma_wait3A_458 = arith.constant 0 : i32
    %dma_wait3A_459 = arith.constant 3 : i32
    %dma_wait3A_460 = arith.constant 0 : i32
    %dma_wait3A_461 = arith.constant 0 : i32
    %dma_wait3A_462 = tpu.memref_slice %arg9[%dma_wait3A_459, %dma_wait3A_460, %dma_wait3A_461] : memref<5x128x64xf32, #tpu.memory_space<vmem>> -> memref<1x128x64xf32, #tpu.memory_space<vmem>>
    %dma_wait3A_463 = tpu.memref_squeeze %dma_wait3A_462 : memref<1x128x64xf32, #tpu.memory_space<vmem>> -> memref<128x64xf32, #tpu.memory_space<vmem>>
    %dma_wait3A_464 = arith.constant 0 : i32
    %dma_wait3A_465 = tpu.memref_slice %arg8[%dma_wait3A_458, %dma_wait3A_464] : memref<50x128xi32, #tpu.memory_space<vmem>> -> memref<1x128xi32, #tpu.memory_space<vmem>>
    %dma_wait3A_466 = tpu.memref_squeeze %dma_wait3A_465 : memref<1x128xi32, #tpu.memory_space<vmem>> -> memref<128xi32, #tpu.memory_space<vmem>>
    %dma_wait3A_467 = arith.constant 0 : i32
    %dma_wait3A_468 = arith.constant 0 : i32
    %dma_wait3A_469 = tpu.memref_slice %arg5[%dma_wait3A_467, %dma_wait3A_468] : memref<200000x64xf32, #tpu.memory_space<hbm>> -> memref<200000x64xf32, #tpu.memory_space<hbm>>
    tpu.wait_indirect_dma semaphore(%arg13 : memref<!tpu.dma_semaphore, #tpu.memory_space<semaphore_mem>>) src(%dma_wait3A_469 : memref<200000x64xf32, #tpu.memory_space<hbm>>) dst(%dma_wait3A_463 : memref<128x64xf32, #tpu.memory_space<vmem>>)
    %add3A_470 = arith.constant 2304 : i32
    %add3A_471 = arith.addi %mul3A_271, %add3A_470 : i32
    %dma_start3A_472 = arith.constant 3 : i32
    %dma_start3A_473 = arith.constant 0 : i32
    %dma_start3A_474 = arith.constant 0 : i32
    %dma_start3A_475 = tpu.memref_slice %arg9[%dma_start3A_472, %dma_start3A_473, %dma_start3A_474] : memref<5x128x64xf32, #tpu.memory_space<vmem>> -> memref<1x128x64xf32, #tpu.memory_space<vmem>>
    %dma_start3A_476 = tpu.memref_squeeze %dma_start3A_475 : memref<1x128x64xf32, #tpu.memory_space<vmem>> -> memref<128x64xf32, #tpu.memory_space<vmem>>
    %dma_start3A_477 = arith.constant 0 : i32
    %dma_start3A_478 = tpu.memref_slice %arg7[%add3A_471, %dma_start3A_477] : memref<81920x64xf32, #tpu.memory_space<hbm>> -> memref<128x64xf32, #tpu.memory_space<hbm>>
    %dma_start3A_479 = arith.constant 0 : i32
    %dma_start3A_480 = tpu.memref_slice %arg7[%add3A_471, %dma_start3A_479] : memref<81920x64xf32, #tpu.memory_space<hbm>> -> memref<128x64xf32, #tpu.memory_space<hbm>>
    %dma_start3A_481 = arith.constant 0 : i32
    %dma_start3A_482 = arith.constant 0 : i32
    %dma_start3A_483 = tpu.memref_slice %arg9[%dma_start3A_472, %dma_start3A_481, %dma_start3A_482] : memref<5x128x64xf32, #tpu.memory_space<vmem>> -> memref<1x128x64xf32, #tpu.memory_space<vmem>>
    %dma_start3A_484 = tpu.memref_squeeze %dma_start3A_483 : memref<1x128x64xf32, #tpu.memory_space<vmem>> -> memref<128x64xf32, #tpu.memory_space<vmem>>
    tpu.enqueue_dma source(%dma_start3A_484 : memref<128x64xf32, #tpu.memory_space<vmem>>) target(%dma_start3A_480 : memref<128x64xf32, #tpu.memory_space<hbm>>) target_semaphore(%arg18 : memref<!tpu.dma_semaphore, #tpu.memory_space<semaphore_mem>>)
    %dma_wait3A_485 = arith.constant 3 : i32
    %dma_wait3A_486 = arith.constant 0 : i32
    %dma_wait3A_487 = arith.constant 0 : i32
    %dma_wait3A_488 = tpu.memref_slice %arg9[%dma_wait3A_485, %dma_wait3A_486, %dma_wait3A_487] : memref<5x128x64xf32, #tpu.memory_space<vmem>> -> memref<1x128x64xf32, #tpu.memory_space<vmem>>
    %dma_wait3A_489 = tpu.memref_squeeze %dma_wait3A_488 : memref<1x128x64xf32, #tpu.memory_space<vmem>> -> memref<128x64xf32, #tpu.memory_space<vmem>>
    %dma_wait3A_490 = arith.constant 0 : i32
    %dma_wait3A_491 = tpu.memref_slice %arg7[%mul3A_271, %dma_wait3A_490] : memref<81920x64xf32, #tpu.memory_space<hbm>> -> memref<128x64xf32, #tpu.memory_space<hbm>>
    %dma_wait3A_492 = arith.constant 0 : i32
    %dma_wait3A_493 = tpu.memref_slice %arg7[%mul3A_271, %dma_wait3A_492] : memref<81920x64xf32, #tpu.memory_space<hbm>> -> memref<128x64xf32, #tpu.memory_space<hbm>>
    %dma_wait3A_494 = arith.constant 0 : i32
    %dma_wait3A_495 = arith.constant 0 : i32
    %dma_wait3A_496 = tpu.memref_slice %arg9[%dma_wait3A_485, %dma_wait3A_494, %dma_wait3A_495] : memref<5x128x64xf32, #tpu.memory_space<vmem>> -> memref<1x128x64xf32, #tpu.memory_space<vmem>>
    %dma_wait3A_497 = tpu.memref_squeeze %dma_wait3A_496 : memref<1x128x64xf32, #tpu.memory_space<vmem>> -> memref<128x64xf32, #tpu.memory_space<vmem>>
    tpu.wait_dma2 semaphore(%arg18 : memref<!tpu.dma_semaphore, #tpu.memory_space<semaphore_mem>>) src(%dma_wait3A_497 : memref<128x64xf32, #tpu.memory_space<vmem>>) dst(%dma_wait3A_493 : memref<128x64xf32, #tpu.memory_space<hbm>>)
    %dma_wait3A_498 = arith.constant 0 : i32
    %dma_wait3A_499 = arith.constant 4 : i32
    %dma_wait3A_500 = arith.constant 0 : i32
    %dma_wait3A_501 = arith.constant 0 : i32
    %dma_wait3A_502 = tpu.memref_slice %arg9[%dma_wait3A_499, %dma_wait3A_500, %dma_wait3A_501] : memref<5x128x64xf32, #tpu.memory_space<vmem>> -> memref<1x128x64xf32, #tpu.memory_space<vmem>>
    %dma_wait3A_503 = tpu.memref_squeeze %dma_wait3A_502 : memref<1x128x64xf32, #tpu.memory_space<vmem>> -> memref<128x64xf32, #tpu.memory_space<vmem>>
    %dma_wait3A_504 = arith.constant 0 : i32
    %dma_wait3A_505 = tpu.memref_slice %arg8[%dma_wait3A_498, %dma_wait3A_504] : memref<50x128xi32, #tpu.memory_space<vmem>> -> memref<1x128xi32, #tpu.memory_space<vmem>>
    %dma_wait3A_506 = tpu.memref_squeeze %dma_wait3A_505 : memref<1x128xi32, #tpu.memory_space<vmem>> -> memref<128xi32, #tpu.memory_space<vmem>>
    %dma_wait3A_507 = arith.constant 0 : i32
    %dma_wait3A_508 = arith.constant 0 : i32
    %dma_wait3A_509 = tpu.memref_slice %arg5[%dma_wait3A_507, %dma_wait3A_508] : memref<200000x64xf32, #tpu.memory_space<hbm>> -> memref<200000x64xf32, #tpu.memory_space<hbm>>
    tpu.wait_indirect_dma semaphore(%arg14 : memref<!tpu.dma_semaphore, #tpu.memory_space<semaphore_mem>>) src(%dma_wait3A_509 : memref<200000x64xf32, #tpu.memory_space<hbm>>) dst(%dma_wait3A_503 : memref<128x64xf32, #tpu.memory_space<vmem>>)
    %add3A_510 = arith.constant 2432 : i32
    %add3A_511 = arith.addi %mul3A_271, %add3A_510 : i32
    %dma_start3A_512 = arith.constant 4 : i32
    %dma_start3A_513 = arith.constant 0 : i32
    %dma_start3A_514 = arith.constant 0 : i32
    %dma_start3A_515 = tpu.memref_slice %arg9[%dma_start3A_512, %dma_start3A_513, %dma_start3A_514] : memref<5x128x64xf32, #tpu.memory_space<vmem>> -> memref<1x128x64xf32, #tpu.memory_space<vmem>>
    %dma_start3A_516 = tpu.memref_squeeze %dma_start3A_515 : memref<1x128x64xf32, #tpu.memory_space<vmem>> -> memref<128x64xf32, #tpu.memory_space<vmem>>
    %dma_start3A_517 = arith.constant 0 : i32
    %dma_start3A_518 = tpu.memref_slice %arg7[%add3A_511, %dma_start3A_517] : memref<81920x64xf32, #tpu.memory_space<hbm>> -> memref<128x64xf32, #tpu.memory_space<hbm>>
    %dma_start3A_519 = arith.constant 0 : i32
    %dma_start3A_520 = tpu.memref_slice %arg7[%add3A_511, %dma_start3A_519] : memref<81920x64xf32, #tpu.memory_space<hbm>> -> memref<128x64xf32, #tpu.memory_space<hbm>>
    %dma_start3A_521 = arith.constant 0 : i32
    %dma_start3A_522 = arith.constant 0 : i32
    %dma_start3A_523 = tpu.memref_slice %arg9[%dma_start3A_512, %dma_start3A_521, %dma_start3A_522] : memref<5x128x64xf32, #tpu.memory_space<vmem>> -> memref<1x128x64xf32, #tpu.memory_space<vmem>>
    %dma_start3A_524 = tpu.memref_squeeze %dma_start3A_523 : memref<1x128x64xf32, #tpu.memory_space<vmem>> -> memref<128x64xf32, #tpu.memory_space<vmem>>
    tpu.enqueue_dma source(%dma_start3A_524 : memref<128x64xf32, #tpu.memory_space<vmem>>) target(%dma_start3A_520 : memref<128x64xf32, #tpu.memory_space<hbm>>) target_semaphore(%arg19 : memref<!tpu.dma_semaphore, #tpu.memory_space<semaphore_mem>>)
    %dma_wait3A_525 = arith.constant 4 : i32
    %dma_wait3A_526 = arith.constant 0 : i32
    %dma_wait3A_527 = arith.constant 0 : i32
    %dma_wait3A_528 = tpu.memref_slice %arg9[%dma_wait3A_525, %dma_wait3A_526, %dma_wait3A_527] : memref<5x128x64xf32, #tpu.memory_space<vmem>> -> memref<1x128x64xf32, #tpu.memory_space<vmem>>
    %dma_wait3A_529 = tpu.memref_squeeze %dma_wait3A_528 : memref<1x128x64xf32, #tpu.memory_space<vmem>> -> memref<128x64xf32, #tpu.memory_space<vmem>>
    %dma_wait3A_530 = arith.constant 0 : i32
    %dma_wait3A_531 = tpu.memref_slice %arg7[%mul3A_271, %dma_wait3A_530] : memref<81920x64xf32, #tpu.memory_space<hbm>> -> memref<128x64xf32, #tpu.memory_space<hbm>>
    %dma_wait3A_532 = arith.constant 0 : i32
    %dma_wait3A_533 = tpu.memref_slice %arg7[%mul3A_271, %dma_wait3A_532] : memref<81920x64xf32, #tpu.memory_space<hbm>> -> memref<128x64xf32, #tpu.memory_space<hbm>>
    %dma_wait3A_534 = arith.constant 0 : i32
    %dma_wait3A_535 = arith.constant 0 : i32
    %dma_wait3A_536 = tpu.memref_slice %arg9[%dma_wait3A_525, %dma_wait3A_534, %dma_wait3A_535] : memref<5x128x64xf32, #tpu.memory_space<vmem>> -> memref<1x128x64xf32, #tpu.memory_space<vmem>>
    %dma_wait3A_537 = tpu.memref_squeeze %dma_wait3A_536 : memref<1x128x64xf32, #tpu.memory_space<vmem>> -> memref<128x64xf32, #tpu.memory_space<vmem>>
    tpu.wait_dma2 semaphore(%arg19 : memref<!tpu.dma_semaphore, #tpu.memory_space<semaphore_mem>>) src(%dma_wait3A_537 : memref<128x64xf32, #tpu.memory_space<vmem>>) dst(%dma_wait3A_533 : memref<128x64xf32, #tpu.memory_space<hbm>>)
    return
  }
}

module attributes {stable_mosaic.version = 14 : i64} {
  func.func @_prep_body(%arg0: i32, %arg1: memref<64x8192xf32, #tpu.memory_space<vmem>>, %arg2: memref<8192x128xf32, #tpu.memory_space<vmem>>) attributes {dimension_semantics = [#tpu.dimension_semantics<arbitrary>], iteration_bounds = array<i64: 122>, scalar_prefetch = 0 : i64, scratch_operands = 0 : i64, tpu.core_type = #tpu.core_type<tc>, window_params = [{transform_indices = @transform_0, window_bounds = array<i64: 64, 8192>}, {transform_indices = @transform_1, window_bounds = array<i64: 8192, 128>}]} {
    %get3A = arith.constant 0 : index
    %get3A_0 = arith.constant 0 : index
    %get3A_1 = vector.load %arg1[%get3A, %get3A_0] : memref<64x8192xf32, #tpu.memory_space<vmem>>, vector<64x8192xf32>
    %transpose3A = tpu.transpose %get3A_1, [1, 0] : vector<64x8192xf32> -> vector<8192x64xf32>
    %concatenate3A = tpu.concatenate %transpose3A, %transpose3A in 1 : vector<8192x64xf32>, vector<8192x64xf32> -> vector<8192x128xf32>
    %swap3A = arith.constant 0 : index
    %swap3A_2 = arith.constant 0 : index
    %swap3A_3 = vector.load %arg2[%swap3A, %swap3A_2] : memref<8192x128xf32, #tpu.memory_space<vmem>>, vector<8192x128xf32>
    tpu.vector_store %arg2[%swap3A, %swap3A_2], %concatenate3A {strides = array<i32>} : memref<8192x128xf32, #tpu.memory_space<vmem>>, vector<8192x128xf32>,
    return
  }
  func.func @transform_0(%arg0: i32) -> (i32, i32) {
    %c0_i32 = arith.constant 0 : i32
    %c0_i32_0 = arith.constant 0 : i32
    return %c0_i32, %arg0 : i32, i32
  }
  func.func @transform_1(%arg0: i32) -> (i32, i32) {
    %c0_i32 = arith.constant 0 : i32
    %c0_i32_0 = arith.constant 0 : i32
    return %arg0, %c0_i32 : i32, i32
  }
}

module attributes {stable_mosaic.version = 14 : i64} {
  func.func @_prep_body(%arg0: i32, %arg1: memref<64x8192xf32, #tpu.memory_space<vmem>>, %arg2: memref<8192x128xf32, #tpu.memory_space<vmem>>) attributes {dimension_semantics = [#tpu.dimension_semantics<arbitrary>], iteration_bounds = array<i64: 12>, scalar_prefetch = 0 : i64, scratch_operands = 0 : i64, tpu.core_type = #tpu.core_type<tc>, window_params = [{transform_indices = @transform_0, window_bounds = array<i64: 64, 8192>}, {transform_indices = @transform_1, window_bounds = array<i64: 8192, 128>}]} {
    %get3A = arith.constant 0 : index
    %get3A_0 = arith.constant 0 : index
    %get3A_1 = vector.load %arg1[%get3A, %get3A_0] : memref<64x8192xf32, #tpu.memory_space<vmem>>, vector<64x8192xf32>
    %transpose3A = tpu.transpose %get3A_1, [1, 0] : vector<64x8192xf32> -> vector<8192x64xf32>
    %concatenate3A = tpu.concatenate %transpose3A, %transpose3A in 1 : vector<8192x64xf32>, vector<8192x64xf32> -> vector<8192x128xf32>
    %swap3A = arith.constant 0 : index
    %swap3A_2 = arith.constant 0 : index
    %swap3A_3 = vector.load %arg2[%swap3A, %swap3A_2] : memref<8192x128xf32, #tpu.memory_space<vmem>>, vector<8192x128xf32>
    tpu.vector_store %arg2[%swap3A, %swap3A_2], %concatenate3A {strides = array<i32>} : memref<8192x128xf32, #tpu.memory_space<vmem>>, vector<8192x128xf32>,
    return
  }
  func.func @transform_0(%arg0: i32) -> (i32, i32) {
    %c0_i32 = arith.constant 0 : i32
    %c0_i32_0 = arith.constant 0 : i32
    return %c0_i32, %arg0 : i32, i32
  }
  func.func @transform_1(%arg0: i32) -> (i32, i32) {
    %c0_i32 = arith.constant 0 : i32
    %c0_i32_0 = arith.constant 0 : i32
    return %arg0, %c0_i32 : i32, i32
  }
}

module attributes {stable_mosaic.version = 14 : i64} {
  func.func @_mlp_body(%arg0: i32, %arg1: memref<6400x128xf32, #tpu.memory_space<vmem>>, %arg2: memref<2560x128xf32, #tpu.memory_space<vmem>>, %arg3: memref<3200x1024xf32, #tpu.memory_space<vmem>>, %arg4: memref<1280x1024xf32, #tpu.memory_space<vmem>>, %arg5: memref<1x1024xf32, #tpu.memory_space<vmem>>, %arg6: memref<1024x512xf32, #tpu.memory_space<vmem>>, %arg7: memref<1x512xf32, #tpu.memory_space<vmem>>, %arg8: memref<512x50xf32, #tpu.memory_space<vmem>>, %arg9: memref<1x50xf32, #tpu.memory_space<vmem>>, %arg10: memref<256x50xf32, #tpu.memory_space<vmem>>) attributes {dimension_semantics = [#tpu.dimension_semantics<arbitrary>], iteration_bounds = array<i64: 16>, scalar_prefetch = 0 : i64, scratch_operands = 0 : i64, tpu.core_type = #tpu.core_type<tc>, window_params = [{transform_indices = @transform_0, window_bounds = array<i64: 6400, 128>}, {transform_indices = @transform_1, window_bounds = array<i64: 2560, 128>}, {pipeline_mode = #tpu.pipeline_mode<synchronous>, transform_indices = @transform_2, window_bounds = array<i64: 3200, 1024>}, {pipeline_mode = #tpu.pipeline_mode<synchronous>, transform_indices = @transform_3, window_bounds = array<i64: 1280, 1024>}, {pipeline_mode = #tpu.pipeline_mode<synchronous>, transform_indices = @transform_4, window_bounds = array<i64: 1, 1024>}, {pipeline_mode = #tpu.pipeline_mode<synchronous>, transform_indices = @transform_5, window_bounds = array<i64: 1024, 512>}, {pipeline_mode = #tpu.pipeline_mode<synchronous>, transform_indices = @transform_6, window_bounds = array<i64: 1, 512>}, {pipeline_mode = #tpu.pipeline_mode<synchronous>, transform_indices = @transform_7, window_bounds = array<i64: 512, 50>}, {pipeline_mode = #tpu.pipeline_mode<synchronous>, transform_indices = @transform_8, window_bounds = array<i64: 1, 50>}, {transform_indices = @transform_9, window_bounds = array<i64: 256, 50>}]} {
    %get3A = arith.constant 0 : index
    %get3A_0 = arith.constant 0 : index
    %get3A_1 = vector.load %arg1[%get3A, %get3A_0] : memref<6400x128xf32, #tpu.memory_space<vmem>>, vector<6400x128xf32>
    %reshape3A = vector.shape_cast %get3A_1 : vector<6400x128xf32> to vector<32x25x8x128xf32>
    %slice3A = vector.extract_strided_slice %reshape3A {offsets = [0, 0, 0, 0], sizes = [32, 1, 8, 128], strides = [1, 1, 1, 1]} : vector<32x25x8x128xf32> to vector<32x1x8x128xf32>
    %squeeze3A = vector.shape_cast %slice3A : vector<32x1x8x128xf32> to vector<32x8x128xf32>
    %reshape3A_2 = vector.shape_cast %squeeze3A : vector<32x8x128xf32> to vector<256x128xf32>
    %slice3A_3 = vector.extract_strided_slice %reshape3A {offsets = [0, 1, 0, 0], sizes = [32, 1, 8, 128], strides = [1, 1, 1, 1]} : vector<32x25x8x128xf32> to vector<32x1x8x128xf32>
    %squeeze3A_4 = vector.shape_cast %slice3A_3 : vector<32x1x8x128xf32> to vector<32x8x128xf32>
    %reshape3A_5 = vector.shape_cast %squeeze3A_4 : vector<32x8x128xf32> to vector<256x128xf32>
    %slice3A_6 = vector.extract_strided_slice %reshape3A {offsets = [0, 2, 0, 0], sizes = [32, 1, 8, 128], strides = [1, 1, 1, 1]} : vector<32x25x8x128xf32> to vector<32x1x8x128xf32>
    %squeeze3A_7 = vector.shape_cast %slice3A_6 : vector<32x1x8x128xf32> to vector<32x8x128xf32>
    %reshape3A_8 = vector.shape_cast %squeeze3A_7 : vector<32x8x128xf32> to vector<256x128xf32>
    %slice3A_9 = vector.extract_strided_slice %reshape3A {offsets = [0, 3, 0, 0], sizes = [32, 1, 8, 128], strides = [1, 1, 1, 1]} : vector<32x25x8x128xf32> to vector<32x1x8x128xf32>
    %squeeze3A_10 = vector.shape_cast %slice3A_9 : vector<32x1x8x128xf32> to vector<32x8x128xf32>
    %reshape3A_11 = vector.shape_cast %squeeze3A_10 : vector<32x8x128xf32> to vector<256x128xf32>
    %slice3A_12 = vector.extract_strided_slice %reshape3A {offsets = [0, 4, 0, 0], sizes = [32, 1, 8, 128], strides = [1, 1, 1, 1]} : vector<32x25x8x128xf32> to vector<32x1x8x128xf32>
    %squeeze3A_13 = vector.shape_cast %slice3A_12 : vector<32x1x8x128xf32> to vector<32x8x128xf32>
    %reshape3A_14 = vector.shape_cast %squeeze3A_13 : vector<32x8x128xf32> to vector<256x128xf32>
    %slice3A_15 = vector.extract_strided_slice %reshape3A {offsets = [0, 5, 0, 0], sizes = [32, 1, 8, 128], strides = [1, 1, 1, 1]} : vector<32x25x8x128xf32> to vector<32x1x8x128xf32>
    %squeeze3A_16 = vector.shape_cast %slice3A_15 : vector<32x1x8x128xf32> to vector<32x8x128xf32>
    %reshape3A_17 = vector.shape_cast %squeeze3A_16 : vector<32x8x128xf32> to vector<256x128xf32>
    %slice3A_18 = vector.extract_strided_slice %reshape3A {offsets = [0, 6, 0, 0], sizes = [32, 1, 8, 128], strides = [1, 1, 1, 1]} : vector<32x25x8x128xf32> to vector<32x1x8x128xf32>
    %squeeze3A_19 = vector.shape_cast %slice3A_18 : vector<32x1x8x128xf32> to vector<32x8x128xf32>
    %reshape3A_20 = vector.shape_cast %squeeze3A_19 : vector<32x8x128xf32> to vector<256x128xf32>
    %slice3A_21 = vector.extract_strided_slice %reshape3A {offsets = [0, 7, 0, 0], sizes = [32, 1, 8, 128], strides = [1, 1, 1, 1]} : vector<32x25x8x128xf32> to vector<32x1x8x128xf32>
    %squeeze3A_22 = vector.shape_cast %slice3A_21 : vector<32x1x8x128xf32> to vector<32x8x128xf32>
    %reshape3A_23 = vector.shape_cast %squeeze3A_22 : vector<32x8x128xf32> to vector<256x128xf32>
    %slice3A_24 = vector.extract_strided_slice %reshape3A {offsets = [0, 8, 0, 0], sizes = [32, 1, 8, 128], strides = [1, 1, 1, 1]} : vector<32x25x8x128xf32> to vector<32x1x8x128xf32>
    %squeeze3A_25 = vector.shape_cast %slice3A_24 : vector<32x1x8x128xf32> to vector<32x8x128xf32>
    %reshape3A_26 = vector.shape_cast %squeeze3A_25 : vector<32x8x128xf32> to vector<256x128xf32>
    %slice3A_27 = vector.extract_strided_slice %reshape3A {offsets = [0, 9, 0, 0], sizes = [32, 1, 8, 128], strides = [1, 1, 1, 1]} : vector<32x25x8x128xf32> to vector<32x1x8x128xf32>
    %squeeze3A_28 = vector.shape_cast %slice3A_27 : vector<32x1x8x128xf32> to vector<32x8x128xf32>
    %reshape3A_29 = vector.shape_cast %squeeze3A_28 : vector<32x8x128xf32> to vector<256x128xf32>
    %slice3A_30 = vector.extract_strided_slice %reshape3A {offsets = [0, 10, 0, 0], sizes = [32, 1, 8, 128], strides = [1, 1, 1, 1]} : vector<32x25x8x128xf32> to vector<32x1x8x128xf32>
    %squeeze3A_31 = vector.shape_cast %slice3A_30 : vector<32x1x8x128xf32> to vector<32x8x128xf32>
    %reshape3A_32 = vector.shape_cast %squeeze3A_31 : vector<32x8x128xf32> to vector<256x128xf32>
    %slice3A_33 = vector.extract_strided_slice %reshape3A {offsets = [0, 11, 0, 0], sizes = [32, 1, 8, 128], strides = [1, 1, 1, 1]} : vector<32x25x8x128xf32> to vector<32x1x8x128xf32>
    %squeeze3A_34 = vector.shape_cast %slice3A_33 : vector<32x1x8x128xf32> to vector<32x8x128xf32>
    %reshape3A_35 = vector.shape_cast %squeeze3A_34 : vector<32x8x128xf32> to vector<256x128xf32>
    %slice3A_36 = vector.extract_strided_slice %reshape3A {offsets = [0, 12, 0, 0], sizes = [32, 1, 8, 128], strides = [1, 1, 1, 1]} : vector<32x25x8x128xf32> to vector<32x1x8x128xf32>
    %squeeze3A_37 = vector.shape_cast %slice3A_36 : vector<32x1x8x128xf32> to vector<32x8x128xf32>
    %reshape3A_38 = vector.shape_cast %squeeze3A_37 : vector<32x8x128xf32> to vector<256x128xf32>
    %slice3A_39 = vector.extract_strided_slice %reshape3A {offsets = [0, 13, 0, 0], sizes = [32, 1, 8, 128], strides = [1, 1, 1, 1]} : vector<32x25x8x128xf32> to vector<32x1x8x128xf32>
    %squeeze3A_40 = vector.shape_cast %slice3A_39 : vector<32x1x8x128xf32> to vector<32x8x128xf32>
    %reshape3A_41 = vector.shape_cast %squeeze3A_40 : vector<32x8x128xf32> to vector<256x128xf32>
    %slice3A_42 = vector.extract_strided_slice %reshape3A {offsets = [0, 14, 0, 0], sizes = [32, 1, 8, 128], strides = [1, 1, 1, 1]} : vector<32x25x8x128xf32> to vector<32x1x8x128xf32>
    %squeeze3A_43 = vector.shape_cast %slice3A_42 : vector<32x1x8x128xf32> to vector<32x8x128xf32>
    %reshape3A_44 = vector.shape_cast %squeeze3A_43 : vector<32x8x128xf32> to vector<256x128xf32>
    %slice3A_45 = vector.extract_strided_slice %reshape3A {offsets = [0, 15, 0, 0], sizes = [32, 1, 8, 128], strides = [1, 1, 1, 1]} : vector<32x25x8x128xf32> to vector<32x1x8x128xf32>
    %squeeze3A_46 = vector.shape_cast %slice3A_45 : vector<32x1x8x128xf32> to vector<32x8x128xf32>
    %reshape3A_47 = vector.shape_cast %squeeze3A_46 : vector<32x8x128xf32> to vector<256x128xf32>
    %slice3A_48 = vector.extract_strided_slice %reshape3A {offsets = [0, 16, 0, 0], sizes = [32, 1, 8, 128], strides = [1, 1, 1, 1]} : vector<32x25x8x128xf32> to vector<32x1x8x128xf32>
    %squeeze3A_49 = vector.shape_cast %slice3A_48 : vector<32x1x8x128xf32> to vector<32x8x128xf32>
    %reshape3A_50 = vector.shape_cast %squeeze3A_49 : vector<32x8x128xf32> to vector<256x128xf32>
    %slice3A_51 = vector.extract_strided_slice %reshape3A {offsets = [0, 17, 0, 0], sizes = [32, 1, 8, 128], strides = [1, 1, 1, 1]} : vector<32x25x8x128xf32> to vector<32x1x8x128xf32>
    %squeeze3A_52 = vector.shape_cast %slice3A_51 : vector<32x1x8x128xf32> to vector<32x8x128xf32>
    %reshape3A_53 = vector.shape_cast %squeeze3A_52 : vector<32x8x128xf32> to vector<256x128xf32>
    %slice3A_54 = vector.extract_strided_slice %reshape3A {offsets = [0, 18, 0, 0], sizes = [32, 1, 8, 128], strides = [1, 1, 1, 1]} : vector<32x25x8x128xf32> to vector<32x1x8x128xf32>
    %squeeze3A_55 = vector.shape_cast %slice3A_54 : vector<32x1x8x128xf32> to vector<32x8x128xf32>
    %reshape3A_56 = vector.shape_cast %squeeze3A_55 : vector<32x8x128xf32> to vector<256x128xf32>
    %slice3A_57 = vector.extract_strided_slice %reshape3A {offsets = [0, 19, 0, 0], sizes = [32, 1, 8, 128], strides = [1, 1, 1, 1]} : vector<32x25x8x128xf32> to vector<32x1x8x128xf32>
    %squeeze3A_58 = vector.shape_cast %slice3A_57 : vector<32x1x8x128xf32> to vector<32x8x128xf32>
    %reshape3A_59 = vector.shape_cast %squeeze3A_58 : vector<32x8x128xf32> to vector<256x128xf32>
    %slice3A_60 = vector.extract_strided_slice %reshape3A {offsets = [0, 20, 0, 0], sizes = [32, 1, 8, 128], strides = [1, 1, 1, 1]} : vector<32x25x8x128xf32> to vector<32x1x8x128xf32>
    %squeeze3A_61 = vector.shape_cast %slice3A_60 : vector<32x1x8x128xf32> to vector<32x8x128xf32>
    %reshape3A_62 = vector.shape_cast %squeeze3A_61 : vector<32x8x128xf32> to vector<256x128xf32>
    %slice3A_63 = vector.extract_strided_slice %reshape3A {offsets = [0, 21, 0, 0], sizes = [32, 1, 8, 128], strides = [1, 1, 1, 1]} : vector<32x25x8x128xf32> to vector<32x1x8x128xf32>
    %squeeze3A_64 = vector.shape_cast %slice3A_63 : vector<32x1x8x128xf32> to vector<32x8x128xf32>
    %reshape3A_65 = vector.shape_cast %squeeze3A_64 : vector<32x8x128xf32> to vector<256x128xf32>
    %slice3A_66 = vector.extract_strided_slice %reshape3A {offsets = [0, 22, 0, 0], sizes = [32, 1, 8, 128], strides = [1, 1, 1, 1]} : vector<32x25x8x128xf32> to vector<32x1x8x128xf32>
    %squeeze3A_67 = vector.shape_cast %slice3A_66 : vector<32x1x8x128xf32> to vector<32x8x128xf32>
    %reshape3A_68 = vector.shape_cast %squeeze3A_67 : vector<32x8x128xf32> to vector<256x128xf32>
    %slice3A_69 = vector.extract_strided_slice %reshape3A {offsets = [0, 23, 0, 0], sizes = [32, 1, 8, 128], strides = [1, 1, 1, 1]} : vector<32x25x8x128xf32> to vector<32x1x8x128xf32>
    %squeeze3A_70 = vector.shape_cast %slice3A_69 : vector<32x1x8x128xf32> to vector<32x8x128xf32>
    %reshape3A_71 = vector.shape_cast %squeeze3A_70 : vector<32x8x128xf32> to vector<256x128xf32>
    %slice3A_72 = vector.extract_strided_slice %reshape3A {offsets = [0, 24, 0, 0], sizes = [32, 1, 8, 128], strides = [1, 1, 1, 1]} : vector<32x25x8x128xf32> to vector<32x1x8x128xf32>
    %squeeze3A_73 = vector.shape_cast %slice3A_72 : vector<32x1x8x128xf32> to vector<32x8x128xf32>
    %reshape3A_74 = vector.shape_cast %squeeze3A_73 : vector<32x8x128xf32> to vector<256x128xf32>
    %concatenate3A = tpu.concatenate %reshape3A_2, %reshape3A_5, %reshape3A_8, %reshape3A_11, %reshape3A_14, %reshape3A_17, %reshape3A_20, %reshape3A_23, %reshape3A_26, %reshape3A_29, %reshape3A_32, %reshape3A_35, %reshape3A_38, %reshape3A_41, %reshape3A_44, %reshape3A_47, %reshape3A_50, %reshape3A_53, %reshape3A_56, %reshape3A_59, %reshape3A_62, %reshape3A_65, %reshape3A_68, %reshape3A_71, %reshape3A_74 in 1 : vector<256x128xf32>, vector<256x128xf32>, vector<256x128xf32>, vector<256x128xf32>, vector<256x128xf32>, vector<256x128xf32>, vector<256x128xf32>, vector<256x128xf32>, vector<256x128xf32>, vector<256x128xf32>, vector<256x128xf32>, vector<256x128xf32>, vector<256x128xf32>, vector<256x128xf32>, vector<256x128xf32>, vector<256x128xf32>, vector<256x128xf32>, vector<256x128xf32>, vector<256x128xf32>, vector<256x128xf32>, vector<256x128xf32>, vector<256x128xf32>, vector<256x128xf32>, vector<256x128xf32>, vector<256x128xf32> -> vector<256x3200xf32>
    %get3A_75 = arith.constant 0 : index
    %get3A_76 = arith.constant 0 : index
    %get3A_77 = vector.load %arg2[%get3A_75, %get3A_76] : memref<2560x128xf32, #tpu.memory_space<vmem>>, vector<2560x128xf32>
    %reshape3A_78 = vector.shape_cast %get3A_77 : vector<2560x128xf32> to vector<32x10x8x128xf32>
    %slice3A_79 = vector.extract_strided_slice %reshape3A_78 {offsets = [0, 0, 0, 0], sizes = [32, 1, 8, 128], strides = [1, 1, 1, 1]} : vector<32x10x8x128xf32> to vector<32x1x8x128xf32>
    %squeeze3A_80 = vector.shape_cast %slice3A_79 : vector<32x1x8x128xf32> to vector<32x8x128xf32>
    %reshape3A_81 = vector.shape_cast %squeeze3A_80 : vector<32x8x128xf32> to vector<256x128xf32>
    %slice3A_82 = vector.extract_strided_slice %reshape3A_78 {offsets = [0, 1, 0, 0], sizes = [32, 1, 8, 128], strides = [1, 1, 1, 1]} : vector<32x10x8x128xf32> to vector<32x1x8x128xf32>
    %squeeze3A_83 = vector.shape_cast %slice3A_82 : vector<32x1x8x128xf32> to vector<32x8x128xf32>
    %reshape3A_84 = vector.shape_cast %squeeze3A_83 : vector<32x8x128xf32> to vector<256x128xf32>
    %slice3A_85 = vector.extract_strided_slice %reshape3A_78 {offsets = [0, 2, 0, 0], sizes = [32, 1, 8, 128], strides = [1, 1, 1, 1]} : vector<32x10x8x128xf32> to vector<32x1x8x128xf32>
    %squeeze3A_86 = vector.shape_cast %slice3A_85 : vector<32x1x8x128xf32> to vector<32x8x128xf32>
    %reshape3A_87 = vector.shape_cast %squeeze3A_86 : vector<32x8x128xf32> to vector<256x128xf32>
    %slice3A_88 = vector.extract_strided_slice %reshape3A_78 {offsets = [0, 3, 0, 0], sizes = [32, 1, 8, 128], strides = [1, 1, 1, 1]} : vector<32x10x8x128xf32> to vector<32x1x8x128xf32>
    %squeeze3A_89 = vector.shape_cast %slice3A_88 : vector<32x1x8x128xf32> to vector<32x8x128xf32>
    %reshape3A_90 = vector.shape_cast %squeeze3A_89 : vector<32x8x128xf32> to vector<256x128xf32>
    %slice3A_91 = vector.extract_strided_slice %reshape3A_78 {offsets = [0, 4, 0, 0], sizes = [32, 1, 8, 128], strides = [1, 1, 1, 1]} : vector<32x10x8x128xf32> to vector<32x1x8x128xf32>
    %squeeze3A_92 = vector.shape_cast %slice3A_91 : vector<32x1x8x128xf32> to vector<32x8x128xf32>
    %reshape3A_93 = vector.shape_cast %squeeze3A_92 : vector<32x8x128xf32> to vector<256x128xf32>
    %slice3A_94 = vector.extract_strided_slice %reshape3A_78 {offsets = [0, 5, 0, 0], sizes = [32, 1, 8, 128], strides = [1, 1, 1, 1]} : vector<32x10x8x128xf32> to vector<32x1x8x128xf32>
    %squeeze3A_95 = vector.shape_cast %slice3A_94 : vector<32x1x8x128xf32> to vector<32x8x128xf32>
    %reshape3A_96 = vector.shape_cast %squeeze3A_95 : vector<32x8x128xf32> to vector<256x128xf32>
    %slice3A_97 = vector.extract_strided_slice %reshape3A_78 {offsets = [0, 6, 0, 0], sizes = [32, 1, 8, 128], strides = [1, 1, 1, 1]} : vector<32x10x8x128xf32> to vector<32x1x8x128xf32>
    %squeeze3A_98 = vector.shape_cast %slice3A_97 : vector<32x1x8x128xf32> to vector<32x8x128xf32>
    %reshape3A_99 = vector.shape_cast %squeeze3A_98 : vector<32x8x128xf32> to vector<256x128xf32>
    %slice3A_100 = vector.extract_strided_slice %reshape3A_78 {offsets = [0, 7, 0, 0], sizes = [32, 1, 8, 128], strides = [1, 1, 1, 1]} : vector<32x10x8x128xf32> to vector<32x1x8x128xf32>
    %squeeze3A_101 = vector.shape_cast %slice3A_100 : vector<32x1x8x128xf32> to vector<32x8x128xf32>
    %reshape3A_102 = vector.shape_cast %squeeze3A_101 : vector<32x8x128xf32> to vector<256x128xf32>
    %slice3A_103 = vector.extract_strided_slice %reshape3A_78 {offsets = [0, 8, 0, 0], sizes = [32, 1, 8, 128], strides = [1, 1, 1, 1]} : vector<32x10x8x128xf32> to vector<32x1x8x128xf32>
    %squeeze3A_104 = vector.shape_cast %slice3A_103 : vector<32x1x8x128xf32> to vector<32x8x128xf32>
    %reshape3A_105 = vector.shape_cast %squeeze3A_104 : vector<32x8x128xf32> to vector<256x128xf32>
    %slice3A_106 = vector.extract_strided_slice %reshape3A_78 {offsets = [0, 9, 0, 0], sizes = [32, 1, 8, 128], strides = [1, 1, 1, 1]} : vector<32x10x8x128xf32> to vector<32x1x8x128xf32>
    %squeeze3A_107 = vector.shape_cast %slice3A_106 : vector<32x1x8x128xf32> to vector<32x8x128xf32>
    %reshape3A_108 = vector.shape_cast %squeeze3A_107 : vector<32x8x128xf32> to vector<256x128xf32>
    %concatenate3A_109 = tpu.concatenate %reshape3A_81, %reshape3A_84, %reshape3A_87, %reshape3A_90, %reshape3A_93, %reshape3A_96, %reshape3A_99, %reshape3A_102, %reshape3A_105, %reshape3A_108 in 1 : vector<256x128xf32>, vector<256x128xf32>, vector<256x128xf32>, vector<256x128xf32>, vector<256x128xf32>, vector<256x128xf32>, vector<256x128xf32>, vector<256x128xf32>, vector<256x128xf32>, vector<256x128xf32> -> vector<256x1280xf32>
    %get3A_110 = arith.constant 0 : index
    %get3A_111 = arith.constant 0 : index
    %get3A_112 = vector.load %arg3[%get3A_110, %get3A_111] : memref<3200x1024xf32, #tpu.memory_space<vmem>>, vector<3200x1024xf32>
    %dot_general3A = arith.constant dense<0.000000e+00> : vector<256x1024xf32>
    %dot_general3A_113 = tpu.matmul %concatenate3A, %get3A_112, %dot_general3A {dimension_numbers = #tpu.dot_dimension_numbers<[1], [0], [0], [1], [0, 0, 1, 1], [], []>, transpose_lhs_hint = false} : vector<256x3200xf32>, vector<3200x1024xf32>, vector<256x1024xf32> -> vector<256x1024xf32>
    %get3A_114 = arith.constant 0 : index
    %get3A_115 = arith.constant 0 : index
    %get3A_116 = vector.load %arg4[%get3A_114, %get3A_115] : memref<1280x1024xf32, #tpu.memory_space<vmem>>, vector<1280x1024xf32>
    %dot_general3A_117 = arith.constant dense<0.000000e+00> : vector<256x1024xf32>
    %dot_general3A_118 = tpu.matmul %concatenate3A_109, %get3A_116, %dot_general3A_117 {dimension_numbers = #tpu.dot_dimension_numbers<[1], [0], [0], [1], [0, 0, 1, 1], [], []>, transpose_lhs_hint = false} : vector<256x1280xf32>, vector<1280x1024xf32>, vector<256x1024xf32> -> vector<256x1024xf32>
    %add3A = arith.addf %dot_general3A_113, %dot_general3A_118 : vector<256x1024xf32>
    %get3A_119 = arith.constant 0 : index
    %get3A_120 = arith.constant 0 : index
    %get3A_121 = vector.load %arg5[%get3A_119, %get3A_120] : memref<1x1024xf32, #tpu.memory_space<vmem>>, vector<1x1024xf32>
    %add3A_122 = vector.broadcast %get3A_121 : vector<1x1024xf32> to vector<256x1024xf32>
    %add3A_123 = arith.addf %add3A, %add3A_122 : vector<256x1024xf32>
    %max3A = arith.constant 0.000000e+00 : f32
    %max3A_124 = vector.broadcast %max3A : f32 to vector<256x1024xf32>
    %max3A_125 = arith.maximumf %add3A_123, %max3A_124 : vector<256x1024xf32>
    %get3A_126 = arith.constant 0 : index
    %get3A_127 = arith.constant 0 : index
    %get3A_128 = vector.load %arg6[%get3A_126, %get3A_127] : memref<1024x512xf32, #tpu.memory_space<vmem>>, vector<1024x512xf32>
    %dot_general3A_129 = arith.constant dense<0.000000e+00> : vector<256x512xf32>
    %dot_general3A_130 = tpu.matmul %max3A_125, %get3A_128, %dot_general3A_129 {dimension_numbers = #tpu.dot_dimension_numbers<[1], [0], [0], [1], [0, 0, 1, 1], [], []>, transpose_lhs_hint = false} : vector<256x1024xf32>, vector<1024x512xf32>, vector<256x512xf32> -> vector<256x512xf32>
    %get3A_131 = arith.constant 0 : index
    %get3A_132 = arith.constant 0 : index
    %get3A_133 = vector.load %arg7[%get3A_131, %get3A_132] : memref<1x512xf32, #tpu.memory_space<vmem>>, vector<1x512xf32>
    %add3A_134 = vector.broadcast %get3A_133 : vector<1x512xf32> to vector<256x512xf32>
    %add3A_135 = arith.addf %dot_general3A_130, %add3A_134 : vector<256x512xf32>
    %max3A_136 = arith.constant 0.000000e+00 : f32
    %max3A_137 = vector.broadcast %max3A_136 : f32 to vector<256x512xf32>
    %max3A_138 = arith.maximumf %add3A_135, %max3A_137 : vector<256x512xf32>
    %get3A_139 = arith.constant 0 : index
    %get3A_140 = arith.constant 0 : index
    %get3A_141 = vector.load %arg8[%get3A_139, %get3A_140] : memref<512x50xf32, #tpu.memory_space<vmem>>, vector<512x50xf32>
    %dot_general3A_142 = arith.constant dense<0.000000e+00> : vector<256x50xf32>
    %dot_general3A_143 = tpu.matmul %max3A_138, %get3A_141, %dot_general3A_142 {dimension_numbers = #tpu.dot_dimension_numbers<[1], [0], [0], [1], [0, 0, 1, 1], [], []>, transpose_lhs_hint = false} : vector<256x512xf32>, vector<512x50xf32>, vector<256x50xf32> -> vector<256x50xf32>
    %get3A_144 = arith.constant 0 : index
    %get3A_145 = arith.constant 0 : index
    %get3A_146 = vector.load %arg9[%get3A_144, %get3A_145] : memref<1x50xf32, #tpu.memory_space<vmem>>, vector<1x50xf32>
    %add3A_147 = vector.broadcast %get3A_146 : vector<1x50xf32> to vector<256x50xf32>
    %add3A_148 = arith.addf %dot_general3A_143, %add3A_147 : vector<256x50xf32>
    %swap3A = arith.constant 0 : index
    %swap3A_149 = arith.constant 0 : index
    %swap3A_150 = vector.load %arg10[%swap3A, %swap3A_149] : memref<256x50xf32, #tpu.memory_space<vmem>>, vector<256x50xf32>
    tpu.vector_store %arg10[%swap3A, %swap3A_149], %add3A_148 {strides = array<i32>} : memref<256x50xf32, #tpu.memory_space<vmem>>, vector<256x50xf32>,
    return
  }
  func.func @transform_0(%arg0: i32) -> (i32, i32) {
    %c0_i32 = arith.constant 0 : i32
    %c0_i32_0 = arith.constant 0 : i32
    return %arg0, %c0_i32 : i32, i32
  }
  func.func @transform_1(%arg0: i32) -> (i32, i32) {
    %c0_i32 = arith.constant 0 : i32
    %c0_i32_0 = arith.constant 0 : i32
    return %arg0, %c0_i32 : i32, i32
  }
  func.func @transform_2(%arg0: i32) -> (i32, i32) {
    %c0_i32 = arith.constant 0 : i32
    %c0_i32_0 = arith.constant 0 : i32
    %c0_i32_1 = arith.constant 0 : i32
    return %c0_i32, %c0_i32_0 : i32, i32
  }
  func.func @transform_3(%arg0: i32) -> (i32, i32) {
    %c0_i32 = arith.constant 0 : i32
    %c0_i32_0 = arith.constant 0 : i32
    %c0_i32_1 = arith.constant 0 : i32
    return %c0_i32, %c0_i32_0 : i32, i32
  }
  func.func @transform_4(%arg0: i32) -> (i32, i32) {
    %c0_i32 = arith.constant 0 : i32
    %c0_i32_0 = arith.constant 0 : i32
    %c0_i32_1 = arith.constant 0 : i32
    return %c0_i32, %c0_i32_0 : i32, i32
  }
  func.func @transform_5(%arg0: i32) -> (i32, i32) {
    %c0_i32 = arith.constant 0 : i32
    %c0_i32_0 = arith.constant 0 : i32
    %c0_i32_1 = arith.constant 0 : i32
    return %c0_i32, %c0_i32_0 : i32, i32
  }
  func.func @transform_6(%arg0: i32) -> (i32, i32) {
    %c0_i32 = arith.constant 0 : i32
    %c0_i32_0 = arith.constant 0 : i32
    %c0_i32_1 = arith.constant 0 : i32
    return %c0_i32, %c0_i32_0 : i32, i32
  }
  func.func @transform_7(%arg0: i32) -> (i32, i32) {
    %c0_i32 = arith.constant 0 : i32
    %c0_i32_0 = arith.constant 0 : i32
    %c0_i32_1 = arith.constant 0 : i32
    return %c0_i32, %c0_i32_0 : i32, i32
  }
  func.func @transform_8(%arg0: i32) -> (i32, i32) {
    %c0_i32 = arith.constant 0 : i32
    %c0_i32_0 = arith.constant 0 : i32
    %c0_i32_1 = arith.constant 0 : i32
    return %c0_i32, %c0_i32_0 : i32, i32
  }
  func.func @transform_9(%arg0: i32) -> (i32, i32) {
    %c0_i32 = arith.constant 0 : i32
    %c0_i32_0 = arith.constant 0 : i32
    return %arg0, %c0_i32 : i32, i32
  }
}

</mosaic_0001>

<sc_bundles>
// kernel: kernel.6.cloned.1.call-start
scs
__scs_entry_jumppad:
0x0: {  	(pc) =	sbr.rel $0x88, $3  }
0x1: {  	(tag) =	ssettag $0x0;
	lr =	simm.s32 $0x1  }
0x2: {  	[smem:$0x3F97] =	sst lr;
	_ =	strace $0xD0000000  }
0x3: {  	_ = 	snop  }
0x4: {  	_ = 	snop  }
0x5: {  	_ = 	snop  }
0x6: {  	_ = 	snop  }
0x7: {  	_ = 	snop  }
__scs_overlays_trampoline_lowered:
0x8: {  	[smem:$0x3FA6] =	sst s0  }
0x9: {  	[smem:$0x3FA7] =	sst s1  }
0xa: {  	[smem:$0x3FA8] =	sst s2  }
0xb: {  	[smem:$0x3FA9] =	sst s3  }
0xc: {  	[smem:$0x3FAA] =	sst s4  }
0xd: {  	[smem:$0x3FAB] =	sst s5  }
0xe: {  	[smem:$0x3FAC] =	sst s6  }
0xf: {  	[smem:$0x3FAD] =	sst s7  }
0x10: {  	[smem:$0x3FAE] =	sst s8  }
0x11: {  	[smem:$0x3FAF] =	sst s9;
	s0 =	simm.s32 @!p0 $0x0  }
0x12: {  	s1 =	sld [smem:$0x3F95];
	s0 =	simm.s32 @p0 $0x1  }
0x13: {  	[smem:$0x3FB0] =	sst s0;
	s0 =	simm.s32 @!p1 $0x0  }
0x14: {  	s2 =	sld [smem:$0x3F94];
	s0 =	simm.s32 @p1 $0x1  }
0x15: {  	[smem:$0x3FB1] =	sst s0;
	s0 =	simm.s32 @!p2 $0x0  }
0x16: {  	s3 =	sld [smem:$0x3FDB];
	s0 =	simm.s32 @p2 $0x1  }
0x17: {  	s4 =	simm.s32 $0x1BF5;
	[smem:$0x3FB3] =	sst s0  }
0x18: {  	s0 =	sld [smem:$0x3F96];
	_ =	swait.ge [sflag:s4], $0x0  }
0x19: {  	s7 =	sld [smem:$0x3F97]  }
0x1a: {  	s8 =	sadd.s32 $0xFFFFE003, lr  }
0x1b: {  	s9 =	sadd.s32 $0xFFFFFEF7, lr;
	s5 =	simm.s32 $0xFFFFFFFF;
	p2 =	slt.u32 s8, $0xFFFFF086  }
0x1c: {  	p1 =	slt.u32 s9, $0xF7A;
	s5 =	simm.s32 @!p2 $0x0  }
0x1d: {  	s5 =	simm.s32 @p1 $0x1;
	p0 =	seq.s32 s7, s2  }
0x1e: {  	s7 =	smul.u32 @!p0 $0xF7A, s2;
	p2 =	seq.s32 @!p0 s5, $0x0  }
0x1f: {  	s9 =	smul.u32 $0xF7A, s1;
	s8 =	simm.s32 @!p0 $0x1BF5;
	p2 =	por !p2, p0  }
0x20: {  	[sflag:s8] =	ssyncset.s32 @!p0 $0xFFFFF086;
	s6 =	sadd.s32 @!p0 s3, s7;
	s7 =	simm.s32 @!p0 $0x108  }
0x21: {  	s3 =	sadd.s32 s3, s9;
	s6 =	sadd.s32 @!p0 $0x88, s6;
	s7 =	simm.s32 @p2 $0x1082  }
0x22: {  	[simem:s7], [sflag:s8] =	dma.local @!p0 [hbm:s6], $0xF7A  }
0x23: {  	s9 =	sor.u32 $0xD0000000, s2;
	s6 =	simm.s32 $0x108;
	_ =	swait.ge @!p0 [sflag:s8], $0x0  }
0x24: {  	s3 =	sadd.s32 $0x88, s3;
	s6 =	simm.s32 @!p1 $0x1082;
	[sflag:s4] =	ssyncset.s32 $0xFFFFF086  }
0x25: {  	[simem:s6], [sflag:s4] =	dma.local [hbm:s3], $0xF7A  }
0x26: {  	[smem:$0x3F97] =	sst s1;
	(tag) =	ssettag s2;
	_ =	strace s9  }
0x27: {  	s1 =	sld [smem:$0x3FA7]  }
0x28: {  	s2 =	sld [smem:$0x3FA8]  }
0x29: {  	s4 =	sld [smem:$0x3FAA]  }
0x2a: {  	p0 =	seq.s32 s5, $0x0;
	s5 =	sld [smem:$0x3FAB]  }
0x2b: {  	s6 =	sld [smem:$0x3FAC]  }
0x2c: {  	s7 =	sld [smem:$0x3FAD]  }
0x2d: {  	s3 =	simm.s32 $0x108;
	s8 =	sld [smem:$0x3FAE]  }
0x2e: {  	s3 =	simm.s32 @!p0 $0x1082;
	s9 =	sld [smem:$0x3FAF]  }
0x2f: {  	lr =	sadd.s32 s0, s3;
	s0 =	sld [smem:$0x3FA6]  }
0x30: {  	s3 =	sld [smem:$0x3FA9]  }
0x31: {  	[smem:$0x3FB2] =	sst s10  }
0x32: {  	s10 =	sld [smem:$0x3FB0];
	_ =	sdelay $0x3  }
0x33: {  	p0 =	seq.s32 s10, $0x1;
	s10 =	sld [smem:$0x3FB2];
	_ =	sdelay $0x3  }
0x34: {  	[smem:$0x3FB2] =	sst s10  }
0x35: {  	s10 =	sld [smem:$0x3FB1];
	_ =	sdelay $0x3  }
0x36: {  	p1 =	seq.s32 s10, $0x1;
	s10 =	sld [smem:$0x3FB2];
	_ =	sdelay $0x3  }
0x37: {  	[smem:$0x3FB2] =	sst s10  }
0x38: {  	s10 =	sld [smem:$0x3FB3]  }
0x39: {  	_ = 	snop;
	(pc) =	sbr.ind lr, $3  }
0x3a: {  	_ = 	snop  }
0x3b: {  	_ = 	snop  }
0x3c: {  	p2 =	seq.s32 s10, $0x1;
	s10 =	sld [smem:$0x3FB2]  }
0x3d: {  	_ =	shalt  }
0x3e: {  	_ =	shalt  }
0x3f: {  	_ =	shalt  }
0x40: {  	_ =	shalt  }
0x41: {  	_ =	shalt  }
0x42: {  	_ =	shalt  }
0x43: {  	_ =	shalt  }
0x44: {  	_ =	shalt  }
0x45: {  	_ =	shalt  }
0x46: {  	_ =	shalt  }
0x47: {  	_ =	shalt  }
0x48: {  	_ =	shalt  }
0x49: {  	_ =	shalt  }
0x4a: {  	_ =	shalt  }
0x4b: {  	_ =	shalt  }
0x4c: {  	_ =	shalt  }
0x4d: {  	_ =	shalt  }
0x4e: {  	_ =	shalt  }
0x4f: {  	_ =	shalt  }
0x50: {  	_ =	shalt  }
0x51: {  	_ =	shalt  }
0x52: {  	_ =	shalt  }
0x53: {  	_ =	shalt  }
0x54: {  	_ =	shalt  }
0x55: {  	_ =	shalt  }
0x56: {  	_ =	shalt  }
0x57: {  	_ =	shalt  }
0x58: {  	_ =	shalt  }
0x59: {  	_ =	shalt  }
0x5a: {  	_ =	shalt  }
0x5b: {  	_ =	shalt  }
0x5c: {  	_ =	shalt  }
0x5d: {  	_ =	shalt  }
0x5e: {  	_ =	shalt  }
0x5f: {  	_ =	shalt  }
0x60: {  	_ =	shalt  }
0x61: {  	_ =	shalt  }
0x62: {  	_ =	shalt  }
0x63: {  	_ =	shalt  }
0x64: {  	_ =	shalt  }
0x65: {  	_ =	shalt  }
0x66: {  	_ =	shalt  }
0x67: {  	_ =	shalt  }
0x68: {  	_ =	shalt  }
0x69: {  	_ =	shalt  }
0x6a: {  	_ =	shalt  }
0x6b: {  	_ =	shalt  }
0x6c: {  	_ =	shalt  }
0x6d: {  	_ =	shalt  }
0x6e: {  	_ =	shalt  }
0x6f: {  	_ =	shalt  }
0x70: {  	_ =	shalt  }
0x71: {  	_ =	shalt  }
0x72: {  	_ =	shalt  }
0x73: {  	_ =	shalt  }
0x74: {  	_ =	shalt  }
0x75: {  	_ =	shalt  }
0x76: {  	_ =	shalt  }
0x77: {  	_ =	shalt  }
0x78: {  	_ =	shalt  }
0x79: {  	_ =	shalt  }
0x7a: {  	_ =	shalt  }
0x7b: {  	_ =	shalt  }
0x7c: {  	_ =	shalt  }
0x7d: {  	_ =	shalt  }
0x7e: {  	_ =	shalt  }
0x7f: {  	_ =	shalt  }
0x80: {  	_ =	shalt  }
0x81: {  	_ =	shalt  }
0x82: {  	_ =	shalt  }
0x83: {  	_ =	shalt  }
0x84: {  	_ =	shalt  }
0x85: {  	_ =	shalt  }
0x86: {  	_ =	shalt  }
0x87: {  	_ =	shalt  }
.Lfunc_end0:
.L_simem_size_0:
called_computation_lowered:
.L_overlay_start_0:
0x88: {  	s2 =	sld [smem:$0x3FD9]  }
0x89: {  	s3 =	sld [smem:$0x3FFE];
	_ =	sdelay $0x1  }
0x8a: {  	s1 =	srdreg.scid  }
0x8b: {  	s0 =	sand.u32 $0x1, s1  }
0x8c: {  	s17 =	sshll.u32 s0, $0xA;
	s2 =	sadd.s32 s3, s2  }
0x8d: {  	s2 =	sadd.s32 s2, s17  }
0x8e: {  	[smem:$0x3FBE] =	sst s2  }
0x8f: {  	_ = 	snop  }
0x90: {  	s2 =	sld [smem:$0x3FD0];
	(tm) =	ssettm $0x1  }
0x91: {  	s18 =	sld [smem:$0x3FFB];
	_ =	sdelay $0x3  }
0x92: {  	_ =	strace s18  }
0x93: {  	s3 =	sld [smem:$0x3FFC];
	_ =	sdelay $0x3  }
0x94: {  	_ =	strace s3  }
0x95: {  	s3 =	sld [smem:$0x3FFD];
	_ =	sdelay $0x3  }
0x96: {  	_ =	strace s3  }
0x97: {  	_ =	strace $0x8FFFFFFF  }
0x98: {  	s19 =	sld [smem:$0x3FDB];
	_ =	sdelay $0x1  }
0x99: {  	s4 =	simm.s32 $_scs_section_size  }
0x9a: {  	s5 =	simm.s32 $_size__tile_overlayer_lowered;
	s6 =	simm.s32 $_tile_overlayer_lowered  }
0x9b: {  	s22 =	simm.s32 $0x1BFF;
	s21 =	sshll.u32 s6, $0x1;
	s3 =	sadd.s32 s4, s19  }
0x9c: {  	s7 =	simm.s32 $0x0;
	s20 =	sshll.u32 s5, $0x1;
	s5 =	sadd.s32 s21, s3  }
0x9d: {  	[timem:s7], [sflag:s22] =	dma.local [hbm:s5], s20  }
0x9e: {  	_ =	swait.ge [sflag:s22], s20  }
0x9f: {  	s4 =	ssub.s32 $0x0, s20;
	[sflag:s22] =	ssyncset.done $0x0  }
0xa0: {  	[sflag:s22] =	ssyncadd.s32 s4;
	_ =	sdelay $0x1  }
0xa1: {  	s23 =	simm.s32 $0x1B8B  }
0xa2: {  	_ =	swait.ge [sflag:s23], $0x1  }
0xa3: {  	[sflag:s23] =	ssyncset.done $0x0  }
0xa4: {  	s25 =	simm.s32 $0x1B8E;
	s24 =	sld [smem:$0x3FFE];
	[sflag:s23] =	ssyncadd.s32 $0xFFFFFFFF  }
0xa5: {  	s26 =	simm.s32 $execute0_lowered;
	[smem:$0x3FD2] =	sst s25  }
0xa6: {  	s5 =	sshll.u32 s26, $0x1;
	_ =	strace $0x80000046;
	[dreg:$0x1] =	wrdreg $0xFFFFFFFF  }
0xa7: {  	s28 =	simm.s32 $_size_execute0_lowered;
	s3 =	sadd.s32 s3, s5;
	[dreg:$0x0] =	wrdreg $0x0  }
0xa8: {  	s5 =	sshll.u32 s28, $0x1;
	[dreg:$0x2] =	wrdreg s3  }
0xa9: {  	[dreg:$0x3] =	wrdreg s5  }
0xaa: {  	[dreg:$0x4] =	wrdreg $0xC0  }
0xab: {  	_ =	task [dreg:s7], $0x5FFFF  }
0xac: {  	[dreg:$0x1] =	wrdreg $0xFFFFFFFF  }
0xad: {  	[dreg:$0x0] =	wrdreg $0x60  }
0xae: {  	[dreg:$0x2] =	wrdreg s2  }
0xaf: {  	[dreg:$0x3] =	wrdreg s24  }
0xb0: {  	[dreg:$0x4] =	wrdreg $0x9  }
0xb1: {  	_ =	task.clear_ibuf [dreg:s7], $0x5FFFF;
	_ =	strace $0x90000046  }
0xb2: {  	s29 =	simm.s32 $0x9;
	_ =	strace $0x80000048  }
0xb3: {  	_ =	swait.ge [sflag:s29], $0x1  }
0xb4: {  	[sflag:s29] =	ssyncadd.s32 $0xFFFFFFFF  }
0xb5: {  	_ =	strace $0x90000048  }
0xb6: {  	_ =	sfence  }
0xb7: {  	s30 =	sld [smem:$0x0];
	_ =	sdelay $0x2  }
0xb8: {  	s31 =	sshll.u32 s1, $0xD;
	s1 =	sshrl.u32 s1, $0x2  }
0xb9: {  	s3 =	sand.u32 $0x4000, s31;
	s1 =	sadd.s32 s1, s30  }
0xba: {  	s0 =	sor.u32 s3, s0;
	s1 =	sshll.u32 s1, $0x11  }
0xbb: {  	s0 =	sor.u32 s1, s0  }
0xbc: {  	s0 =	sadd.s32 $0x8F2B, s0  }
0xbd: {  	[sflag:s0] =	ssyncadd.remote.s32 $0x1  }
0xbe: {  	_ =	sfence.sel $0xFFFF  }
0xbf: {  	[dreg:$0x0] =	wrdreg $0xFFFFFFFF;
	(pc) =	sbr.abs _section_cstart, $3  }
0xc0: {  	[dreg:$0x1] =	wrdreg $0xFFFFFFFF  }
0xc1: {  	_ =	task.clear_ibuf [dreg:s7], $0x2FFFF;
	_ =	strace $0x9FFFFFFF  }
0xc2: {  	(tm) =	ssettm $0x7FFFFFFF  }
0xc3: {  	_ =	shalt  }
tec
execute0_lowered:
.L_overlay_start_1:
0x0: {  	(tag) =	ssettag $0x1  }
0x1: {  	s0 =	srdreg.scid;
	s13 =	stileid.u32  }
0x2: {  	s5 =	rddreg [dreg:$0x0];
	s25 =	smul.u32 $0x3200, s13  }
0x3: {  	s6 =	rddreg [dreg:$0x1];
	s2 =	simm.s32 $0x0;
	s14 =	smul.u32 $0x19000, s13  }
0x4: {  	s0 =	sand.u32 $0x1, s0;
	s1 =	sshll.u32 s13, $0x1;
	s18 =	smul.u32 $0x1400, s13  }
0x5: {  	s29 =	simm.s32 $0xB;
	s1 =	sor.u32 s0, s1;
	s26 =	smul.u32 $0x1900, s0  }
0x6: {  	s30 =	simm.s32 $0x80;
	s31 =	simm.s32 $0x1900;
	s3 =	smul.u32 $0xA00, s1  }
0x7: {  	[smem:$0x7FF] =	sst s2;
	s4 =	sadd.s32 $0xF43A00, s6;
	s8 =	smul.u32 $0x64000, s1  }
0x8: {  	s9 =	sadd.s32 $0x10CCC00, s6;
	s10 =	ssub.s32 $0x2, s0;
	s11 =	smul.u32 $0x1900, s1  }
0x9: {  	_ =	strace $0x80000047;
	s12 =	sshrl.u32 s10, $0x1;
	s1 =	smul.u32 $0x28000, s1  }
0xa: {  	s16 =	smul.u32 $0xC800, s0;
	s10 =	ssub.s32 s10, s12;
	s3 =	sshrl.u32 s3, $0x3  }
0xb: {  	s8 =	sshrl.u32 s8, $0x3;
	s11 =	sshrl.u32 s11, $0x3;
	s1 =	sshrl.u32 s1, $0x3  }
0xc: {  	s10 =	smax.u32 s10, $0x1;
	s7 =	sadd.s32 s3, s6;
	s3 =	sadd.s32 $0x1600, s6  }
0xd: {  	s8 =	sadd.s32 s9, s8;
	s5 =	sadd.s32 s5, s11;
	[dreg:$0xf] =	wrdreg s10  }
0xe: {  	s6 =	sadd.s32 $0x125CC00, s6;
	[dreg:$0x3] =	wrdreg s5;
	s20 =	sadd.s32 $0xB400, s8  }
0xf: {  	s10 =	simm.s32 $0x1;
	s21 =	sadd.s32 $0xB800, s8;
	[dreg:$0x4] =	wrdreg s20  }
0x10: {  	s22 =	sadd.s32 $0xBC00, s8;
	s23 =	sadd.s32 $0xC000, s8;
	[dreg:$0x5] =	wrdreg s21  }
0x11: {  	s24 =	sadd.s32 $0xC400, s8;
	s7 =	sadd.s32 $0x10CA400, s7;
	[dreg:$0x6] =	wrdreg s22  }
0x12: {  	s1 =	sadd.s32 s6, s1;
	s5 =	sadd.s32 s26, s25;
	[dreg:$0x7] =	wrdreg s23  }
0x13: {  	s8 =	sadd.s32 s14, s9;
	s14 =	simm.s32 $0x3;
	[dreg:$0x8] =	wrdreg s24  }
0x14: {  	[dreg:$0x9] =	wrdreg s7;
	s11 =	sadd.s32 $0x3C00, s1;
	s12 =	sadd.s32 $0x4000, s1  }
0x15: {  	s15 =	sadd.s32 $0x4400, s1;
	s17 =	sadd.s32 $0x4800, s1;
	[dreg:$0xa] =	wrdreg s11  }
0x16: {  	s5 =	sshll.u32 s5, $0x3;
	s20 =	smul.u32 $0xA00, s0;
	[dreg:$0xb] =	wrdreg s12  }
0x17: {  	s1 =	sadd.s32 $0x4C00, s1;
	s22 =	smul.u32 $0xA000, s13;
	[dreg:$0xc] =	wrdreg s15  }
0x18: {  	s7 =	sadd.s32 s16, s8;
	s0 =	smul.u32 $0x5000, s0;
	[dreg:$0xd] =	wrdreg s17  }
0x19: {  	s13 =	simm.s32 $0x7;
	s16 =	simm.s32 $0x4;
	[dreg:$0xe] =	wrdreg s1  }
0x1a: {  	s8 =	simm.s32 $0x0;
	s19 =	sadd.s32 s5, s9;
	[dreg:$0x11] =	wrdreg s7  }
0x1b: {  	s7 =	simm.s32 $0x7900;
	s9 =	simm.s32 $0x9900;
	s11 =	simm.s32 $0x6  }
0x1c: {  	s12 =	simm.s32 $0x2;
	s21 =	sadd.s32 $0x1000, s19;
	s5 =	sadd.s32 s20, s18  }
0x1d: {  	s23 =	sadd.s32 $0xC00, s19;
	s24 =	sadd.s32 $0x800, s19;
	[dreg:$0x10] =	wrdreg s21  }
0x1e: {  	s1 =	sadd.s32 $0x400, s19;
	[dreg:$0x12] =	wrdreg s23;
	s5 =	sshll.u32 s5, $0x3  }
0x1f: {  	[dreg:$0x13] =	wrdreg s24;
	s5 =	sadd.s32 s5, s6;
	s6 =	sadd.s32 s22, s6  }
0x20: {  	s15 =	simm.s32 $0x8;
	[dreg:$0x14] =	wrdreg s1;
	s0 =	sadd.s32 s0, s6  }
0x21: {  	s17 =	simm.s32 $0x9;
	s25 =	sadd.s32 $0x1000, s5;
	[dreg:$0x15] =	wrdreg s0  }
0x22: {  	s1 =	simm.s32 $0x3900;
	s26 =	sadd.s32 $0xC00, s5;
	[dreg:$0x16] =	wrdreg s25  }
0x23: {  	s28 =	sadd.s32 $0x400, s5;
	s6 =	simm.s32 $0xA;
	[dreg:$0x17] =	wrdreg s26  }
0x24: {  	s26 =	sadd.s32 $0x800, s5;
	s5 =	simm.s32 $0x5900;
	s0 =	simm.s32 $0x5  }
.LBB2_1:
0x25: {  	s18 =	rddreg [dreg:$0x3]  }
0x26: {  	[tilespmem:s2], [sflag:$0xB] =	stream.linear.gather [hbm4b:s18+s2], $0x1900, $0x38;
	[tilespmem:$0xB900] =	vst v63  }
0x27: {  	_ =	swait.ge [sflag:s29], $0x1900  }
0x28: {  	[sflag:s29] =	ssyncset.done $0x0  }
0x29: {  	[sflag:s29] =	ssyncadd.s32 $0xFFFFE700  }
0x2a: {  	[tilespmem:s31], [sflag:$0x1] =	stream.indirect.gather [hbm4b:s3+s30], $0x40, s2, s30, $0xb8;
	[tilespmem:$0xB900] =	vst v63  }
0x2b: {  	_ = 	snop  }
0x2c: {  	[tilespmem:s1], [sflag:$0x2] =	stream.indirect.gather [hbm4b:s3+s30], $0x40, s30, s30, $0xb8;
	[tilespmem:$0xB900] =	vst v63  }
0x2d: {  	s19 =	simm.s32 $0x100  }
0x2e: {  	[tilespmem:s5], [sflag:$0x3] =	stream.indirect.gather [hbm4b:s3+s30], $0x40, s19, s30, $0xb8;
	[tilespmem:$0xB900] =	vst v63  }
0x2f: {  	s20 =	simm.s32 $0x180  }
0x30: {  	[tilespmem:s7], [sflag:$0x4] =	stream.indirect.gather [hbm4b:s3+s30], $0x40, s20, s30, $0xb8;
	[tilespmem:$0xB900] =	vst v63  }
0x31: {  	s21 =	simm.s32 $0x200  }
0x32: {  	[tilespmem:s9], [sflag:$0x5] =	stream.indirect.gather [hbm4b:s3+s30], $0x40, s21, s30, $0xb8;
	[tilespmem:$0xB900] =	vst v63  }
0x33: {  	_ =	swait.ge [sflag:s10], $0x2000  }
0x34: {  	[sflag:s10] =	ssyncset.done $0x0  }
0x35: {  	s20 =	rddreg [dreg:$0x11];
	[sflag:s10] =	ssyncadd.s32 $0xFFFFE000  }
0x36: {  	[hbm4b:s20+s2] =	stream.linear.scatter [tilespmem:s31], [sflag:$0x6], $0x2000, $0x38;
	[tilespmem:$0xB900] =	vst v63  }
0x37: {  	_ =	swait.ge [sflag:s11], $0x2000  }
0x38: {  	[sflag:s11] =	ssyncset.done $0x0  }
0x39: {  	s22 =	simm.s32 $0x280;
	[sflag:s11] =	ssyncadd.s32 $0xFFFFE000  }
0x3a: {  	[tilespmem:s31], [sflag:$0x1] =	stream.indirect.gather [hbm4b:s3+s30], $0x40, s22, s30, $0xb8;
	[tilespmem:$0xB900] =	vst v63  }
0x3b: {  	_ =	swait.ge [sflag:s12], $0x2000  }
0x3c: {  	[sflag:s12] =	ssyncset.done $0x0  }
0x3d: {  	s19 =	rddreg [dreg:$0x14];
	[sflag:s12] =	ssyncadd.s32 $0xFFFFE000  }
0x3e: {  	[hbm4b:s19+s2] =	stream.linear.scatter [tilespmem:s1], [sflag:$0x7], $0x2000, $0x38;
	[tilespmem:$0xB900] =	vst v63  }
0x3f: {  	_ =	swait.ge [sflag:s13], $0x2000  }
0x40: {  	[sflag:s13] =	ssyncset.done $0x0  }
0x41: {  	s23 =	simm.s32 $0x300;
	[sflag:s13] =	ssyncadd.s32 $0xFFFFE000  }
0x42: {  	[tilespmem:s1], [sflag:$0x2] =	stream.indirect.gather [hbm4b:s3+s30], $0x40, s23, s30, $0xb8;
	[tilespmem:$0xB900] =	vst v63  }
0x43: {  	_ =	swait.ge [sflag:s14], $0x2000  }
0x44: {  	[sflag:s14] =	ssyncset.done $0x0  }
0x45: {  	s22 =	rddreg [dreg:$0x13];
	[sflag:s14] =	ssyncadd.s32 $0xFFFFE000  }
0x46: {  	[hbm4b:s22+s2] =	stream.linear.scatter [tilespmem:s5], [sflag:$0x8], $0x2000, $0x38;
	[tilespmem:$0xB900] =	vst v63  }
0x47: {  	_ =	swait.ge [sflag:s15], $0x2000  }
0x48: {  	[sflag:s15] =	ssyncset.done $0x0  }
0x49: {  	s24 =	simm.s32 $0x380;
	[sflag:s15] =	ssyncadd.s32 $0xFFFFE000  }
0x4a: {  	[tilespmem:s5], [sflag:$0x3] =	stream.indirect.gather [hbm4b:s3+s30], $0x40, s24, s30, $0xb8;
	[tilespmem:$0xB900] =	vst v63  }
0x4b: {  	_ =	swait.ge [sflag:s16], $0x2000  }
0x4c: {  	[sflag:s16] =	ssyncset.done $0x0  }
0x4d: {  	s21 =	rddreg [dreg:$0x12];
	[sflag:s16] =	ssyncadd.s32 $0xFFFFE000  }
0x4e: {  	[hbm4b:s21+s2] =	stream.linear.scatter [tilespmem:s7], [sflag:$0x9], $0x2000, $0x38;
	[tilespmem:$0xB900] =	vst v63  }
0x4f: {  	_ =	swait.ge [sflag:s17], $0x2000  }
0x50: {  	[sflag:s17] =	ssyncset.done $0x0  }
0x51: {  	s25 =	simm.s32 $0x400;
	[sflag:s17] =	ssyncadd.s32 $0xFFFFE000  }
0x52: {  	[tilespmem:s7], [sflag:$0x4] =	stream.indirect.gather [hbm4b:s3+s30], $0x40, s25, s30, $0xb8;
	[tilespmem:$0xB900] =	vst v63  }
0x53: {  	_ =	swait.ge [sflag:s0], $0x2000  }
0x54: {  	[sflag:s0] =	ssyncset.done $0x0  }
0x55: {  	s18 =	simm.s32 $0xA00;
	s23 =	rddreg [dreg:$0x10];
	[sflag:s0] =	ssyncadd.s32 $0xFFFFE000  }
0x56: {  	[hbm4b:s23+s2] =	stream.linear.scatter [tilespmem:s9], [sflag:$0xA], $0x2000, $0x38;
	[tilespmem:$0xB900] =	vst v63  }
0x57: {  	s20 =	sadd.s32 $0x1400, s20;
	s19 =	sadd.s32 $0x1400, s19;
	_ =	swait.ge [sflag:s6], $0x2000  }
0x58: {  	s22 =	sadd.s32 $0x1400, s22;
	s24 =	simm.s32 $0x480;
	[sflag:s6] =	ssyncset.done $0x0  }
0x59: {  	s21 =	sadd.s32 $0x1400, s21;
	s23 =	sadd.s32 $0x1400, s23;
	[sflag:s6] =	ssyncadd.s32 $0xFFFFE000  }
.LBB2_2:
0x5a: {  	[tilespmem:s9], [sflag:$0x5] =	stream.indirect.gather [hbm4b:s3+s30], $0x40, s24, s30, $0xb8;
	[tilespmem:$0xB900] =	vst v63  }
0x5b: {  	s24 =	smov.u32 s18  }
0x5c: {  	p0 =	sne.s32 s18, $0x5000;
	s18 =	sadd.s32 $0xA00, s18;
	_ =	swait.ge [sflag:s10], $0x2000  }
0x5d: {  	[sflag:s10] =	ssyncset.done $0x0  }
0x5e: {  	[sflag:s10] =	ssyncadd.s32 $0xFFFFE000  }
0x5f: {  	[hbm4b:s20+s2] =	stream.linear.scatter [tilespmem:s31], [sflag:$0x6], $0x2000, $0x38;
	[tilespmem:$0xB900] =	vst v63  }
0x60: {  	_ =	swait.ge [sflag:s11], $0x2000  }
0x61: {  	s24 =	sshra.s32 s24, $0x2;
	[sflag:s11] =	ssyncset.done $0x0  }
0x62: {  	s25 =	sadd.s32 $0x280, s24;
	[sflag:s11] =	ssyncadd.s32 $0xFFFFE000  }
0x63: {  	[tilespmem:s31], [sflag:$0x1] =	stream.indirect.gather [hbm4b:s3+s30], $0x40, s25, s30, $0xb8;
	[tilespmem:$0xB900] =	vst v63  }
0x64: {  	_ =	swait.ge [sflag:s12], $0x2000  }
0x65: {  	[sflag:s12] =	ssyncset.done $0x0  }
0x66: {  	[sflag:s12] =	ssyncadd.s32 $0xFFFFE000  }
0x67: {  	[hbm4b:s19+s2] =	stream.linear.scatter [tilespmem:s1], [sflag:$0x7], $0x2000, $0x38;
	[tilespmem:$0xB900] =	vst v63  }
0x68: {  	_ =	swait.ge [sflag:s13], $0x2000  }
0x69: {  	[sflag:s13] =	ssyncset.done $0x0  }
0x6a: {  	s25 =	sadd.s32 $0x300, s24;
	[sflag:s13] =	ssyncadd.s32 $0xFFFFE000  }
0x6b: {  	[tilespmem:s1], [sflag:$0x2] =	stream.indirect.gather [hbm4b:s3+s30], $0x40, s25, s30, $0xb8;
	[tilespmem:$0xB900] =	vst v63  }
0x6c: {  	_ =	swait.ge [sflag:s14], $0x2000  }
0x6d: {  	[sflag:s14] =	ssyncset.done $0x0  }
0x6e: {  	[sflag:s14] =	ssyncadd.s32 $0xFFFFE000  }
0x6f: {  	[hbm4b:s22+s2] =	stream.linear.scatter [tilespmem:s5], [sflag:$0x8], $0x2000, $0x38;
	[tilespmem:$0xB900] =	vst v63  }
0x70: {  	_ =	swait.ge [sflag:s15], $0x2000  }
0x71: {  	[sflag:s15] =	ssyncset.done $0x0  }
0x72: {  	s25 =	sadd.s32 $0x380, s24;
	[sflag:s15] =	ssyncadd.s32 $0xFFFFE000  }
0x73: {  	[tilespmem:s5], [sflag:$0x3] =	stream.indirect.gather [hbm4b:s3+s30], $0x40, s25, s30, $0xb8;
	[tilespmem:$0xB900] =	vst v63  }
0x74: {  	_ =	swait.ge [sflag:s16], $0x2000  }
0x75: {  	[sflag:s16] =	ssyncset.done $0x0  }
0x76: {  	[sflag:s16] =	ssyncadd.s32 $0xFFFFE000  }
0x77: {  	[hbm4b:s21+s2] =	stream.linear.scatter [tilespmem:s7], [sflag:$0x9], $0x2000, $0x38;
	[tilespmem:$0xB900] =	vst v63  }
0x78: {  	_ =	swait.ge [sflag:s17], $0x2000  }
0x79: {  	[sflag:s17] =	ssyncset.done $0x0  }
0x7a: {  	s25 =	sadd.s32 $0x400, s24;
	[sflag:s17] =	ssyncadd.s32 $0xFFFFE000  }
0x7b: {  	[tilespmem:s7], [sflag:$0x4] =	stream.indirect.gather [hbm4b:s3+s30], $0x40, s25, s30, $0xb8;
	[tilespmem:$0xB900] =	vst v63  }
0x7c: {  	_ =	swait.ge [sflag:s0], $0x2000  }
0x7d: {  	[sflag:s0] =	ssyncset.done $0x0  }
.Ltmp0:
0x7e: {  	[sflag:s0] =	ssyncadd.s32 $0xFFFFE000;
	(pc) =	sbr.rel @p0 .LBB2_2-.Ltmp0, $4  }
0x7f: {  	[hbm4b:s23+s2] =	stream.linear.scatter [tilespmem:s9], [sflag:$0xA], $0x2000, $0x38;
	[tilespmem:$0xB900] =	vst v63  }
0x80: {  	s20 =	sadd.s32 $0x1400, s20;
	s19 =	sadd.s32 $0x1400, s19;
	_ =	swait.ge [sflag:s6], $0x2000  }
0x81: {  	s22 =	sadd.s32 $0x1400, s22;
	s21 =	sadd.s32 $0x1400, s21;
	[sflag:s6] =	ssyncset.done $0x0  }
0x82: {  	s24 =	sadd.s32 $0x480, s24;
	s23 =	sadd.s32 $0x1400, s23;
	[sflag:s6] =	ssyncadd.s32 $0xFFFFE000  }
0x83: {  	[tilespmem:s9], [sflag:$0x5] =	stream.indirect.gather [hbm4b:s3+s30], $0x40, s24, s30, $0xb8;
	[tilespmem:$0xB900] =	vst v63  }
0x84: {  	_ =	swait.ge [sflag:s10], $0x2000  }
0x85: {  	[sflag:s10] =	ssyncset.done $0x0  }
0x86: {  	s18 =	simm.s32 $0x0;
	s19 =	rddreg [dreg:$0x4];
	[sflag:s10] =	ssyncadd.s32 $0xFFFFE000  }
0x87: {  	[hbm4b:s19+s18] =	stream.linear.scatter [tilespmem:s31], [sflag:$0x6], $0x2000, $0x38;
	[tilespmem:$0xB900] =	vst v63  }
0x88: {  	_ =	swait.ge [sflag:s11], $0x2000  }
0x89: {  	[sflag:s11] =	ssyncset.done $0x0  }
0x8a: {  	[sflag:s11] =	ssyncadd.s32 $0xFFFFE000  }
0x8b: {  	_ =	swait.ge [sflag:s12], $0x2000  }
0x8c: {  	[sflag:s12] =	ssyncset.done $0x0  }
0x8d: {  	s21 =	rddreg [dreg:$0x5];
	[sflag:s12] =	ssyncadd.s32 $0xFFFFE000  }
0x8e: {  	[hbm4b:s21+s18] =	stream.linear.scatter [tilespmem:s1], [sflag:$0x7], $0x2000, $0x38;
	[tilespmem:$0xB900] =	vst v63  }
0x8f: {  	_ =	swait.ge [sflag:s13], $0x2000  }
0x90: {  	[sflag:s13] =	ssyncset.done $0x0  }
0x91: {  	[sflag:s13] =	ssyncadd.s32 $0xFFFFE000  }
0x92: {  	_ =	swait.ge [sflag:s14], $0x2000  }
0x93: {  	[sflag:s14] =	ssyncset.done $0x0  }
0x94: {  	s22 =	rddreg [dreg:$0x6];
	[sflag:s14] =	ssyncadd.s32 $0xFFFFE000  }
0x95: {  	[hbm4b:s22+s18] =	stream.linear.scatter [tilespmem:s5], [sflag:$0x8], $0x2000, $0x38;
	[tilespmem:$0xB900] =	vst v63  }
0x96: {  	_ =	swait.ge [sflag:s15], $0x2000  }
0x97: {  	[sflag:s15] =	ssyncset.done $0x0  }
0x98: {  	[sflag:s15] =	ssyncadd.s32 $0xFFFFE000  }
0x99: {  	_ =	swait.ge [sflag:s16], $0x2000  }
0x9a: {  	[sflag:s16] =	ssyncset.done $0x0  }
0x9b: {  	s23 =	rddreg [dreg:$0x7];
	[sflag:s16] =	ssyncadd.s32 $0xFFFFE000  }
0x9c: {  	[hbm4b:s23+s18] =	stream.linear.scatter [tilespmem:s7], [sflag:$0x9], $0x2000, $0x38;
	[tilespmem:$0xB900] =	vst v63  }
0x9d: {  	_ =	swait.ge [sflag:s17], $0x2000  }
0x9e: {  	[sflag:s17] =	ssyncset.done $0x0  }
0x9f: {  	[sflag:s17] =	ssyncadd.s32 $0xFFFFE000  }
0xa0: {  	_ =	swait.ge [sflag:s0], $0x2000  }
0xa1: {  	[sflag:s0] =	ssyncset.done $0x0  }
0xa2: {  	s24 =	rddreg [dreg:$0x8];
	[sflag:s0] =	ssyncadd.s32 $0xFFFFE000  }
0xa3: {  	[hbm4b:s24+s18] =	stream.linear.scatter [tilespmem:s9], [sflag:$0xA], $0x2000, $0x38;
	[tilespmem:$0xB900] =	vst v63  }
0xa4: {  	_ =	swait.ge [sflag:s6], $0x2000  }
0xa5: {  	[sflag:s6] =	ssyncset.done $0x0  }
0xa6: {  	s25 =	rddreg [dreg:$0x9];
	[sflag:s6] =	ssyncadd.s32 $0xFFFFE000  }
0xa7: {  	[tilespmem:s18], [sflag:$0xB] =	stream.linear.gather [hbm4b:s25+s18], $0xA00, $0x38;
	[tilespmem:$0xB900] =	vst v63  }
0xa8: {  	_ =	swait.ge [sflag:s29], $0xA00  }
0xa9: {  	[sflag:s29] =	ssyncset.done $0x0  }
0xaa: {  	[sflag:s29] =	ssyncadd.s32 $0xFFFFF600  }
0xab: {  	[tilespmem:s31], [sflag:$0x1] =	stream.indirect.gather [hbm4b:s4+s30], $0x40, s18, s30, $0xb8;
	[tilespmem:$0xB900] =	vst v63  }
0xac: {  	_ = 	snop  }
0xad: {  	[tilespmem:s1], [sflag:$0x2] =	stream.indirect.gather [hbm4b:s4+s30], $0x40, s30, s30, $0xb8;
	[tilespmem:$0xB900] =	vst v63  }
0xae: {  	s19 =	simm.s32 $0x100  }
0xaf: {  	[tilespmem:s5], [sflag:$0x3] =	stream.indirect.gather [hbm4b:s4+s30], $0x40, s19, s30, $0xb8;
	[tilespmem:$0xB900] =	vst v63  }
0xb0: {  	s20 =	simm.s32 $0x180  }
0xb1: {  	[tilespmem:s7], [sflag:$0x4] =	stream.indirect.gather [hbm4b:s4+s30], $0x40, s20, s30, $0xb8;
	[tilespmem:$0xB900] =	vst v63  }
0xb2: {  	s21 =	simm.s32 $0x200  }
0xb3: {  	[tilespmem:s9], [sflag:$0x5] =	stream.indirect.gather [hbm4b:s4+s30], $0x40, s21, s30, $0xb8;
	[tilespmem:$0xB900] =	vst v63  }
0xb4: {  	_ =	swait.ge [sflag:s10], $0x2000  }
0xb5: {  	[sflag:s10] =	ssyncset.done $0x0  }
0xb6: {  	s20 =	rddreg [dreg:$0x15];
	[sflag:s10] =	ssyncadd.s32 $0xFFFFE000  }
0xb7: {  	[hbm4b:s20+s2] =	stream.linear.scatter [tilespmem:s31], [sflag:$0x6], $0x2000, $0x38;
	[tilespmem:$0xB900] =	vst v63  }
0xb8: {  	_ =	swait.ge [sflag:s11], $0x2000  }
0xb9: {  	[sflag:s11] =	ssyncset.done $0x0  }
0xba: {  	s22 =	simm.s32 $0x280;
	[sflag:s11] =	ssyncadd.s32 $0xFFFFE000  }
0xbb: {  	[tilespmem:s31], [sflag:$0x1] =	stream.indirect.gather [hbm4b:s4+s30], $0x40, s22, s30, $0xb8;
	[tilespmem:$0xB900] =	vst v63  }
0xbc: {  	_ =	swait.ge [sflag:s12], $0x2000  }
0xbd: {  	[sflag:s12] =	ssyncset.done $0x0  }
0xbe: {  	[sflag:s12] =	ssyncadd.s32 $0xFFFFE000  }
0xbf: {  	[hbm4b:s28+s2] =	stream.linear.scatter [tilespmem:s1], [sflag:$0x7], $0x2000, $0x38;
	[tilespmem:$0xB900] =	vst v63  }
0xc0: {  	_ =	swait.ge [sflag:s13], $0x2000  }
0xc1: {  	[sflag:s13] =	ssyncset.done $0x0  }
0xc2: {  	s23 =	simm.s32 $0x300;
	[sflag:s13] =	ssyncadd.s32 $0xFFFFE000  }
0xc3: {  	[tilespmem:s1], [sflag:$0x2] =	stream.indirect.gather [hbm4b:s4+s30], $0x40, s23, s30, $0xb8;
	[tilespmem:$0xB900] =	vst v63  }
0xc4: {  	_ =	swait.ge [sflag:s14], $0x2000  }
0xc5: {  	[sflag:s14] =	ssyncset.done $0x0  }
0xc6: {  	[sflag:s14] =	ssyncadd.s32 $0xFFFFE000  }
0xc7: {  	[hbm4b:s26+s2] =	stream.linear.scatter [tilespmem:s5], [sflag:$0x8], $0x2000, $0x38;
	[tilespmem:$0xB900] =	vst v63  }
0xc8: {  	_ =	swait.ge [sflag:s15], $0x2000  }
0xc9: {  	[sflag:s15] =	ssyncset.done $0x0  }
0xca: {  	s24 =	simm.s32 $0x380;
	[sflag:s15] =	ssyncadd.s32 $0xFFFFE000  }
0xcb: {  	[tilespmem:s5], [sflag:$0x3] =	stream.indirect.gather [hbm4b:s4+s30], $0x40, s24, s30, $0xb8;
	[tilespmem:$0xB900] =	vst v63  }
0xcc: {  	_ =	swait.ge [sflag:s16], $0x2000  }
0xcd: {  	[sflag:s16] =	ssyncset.done $0x0  }
0xce: {  	s21 =	rddreg [dreg:$0x17];
	[sflag:s16] =	ssyncadd.s32 $0xFFFFE000  }
0xcf: {  	[hbm4b:s21+s2] =	stream.linear.scatter [tilespmem:s7], [sflag:$0x9], $0x2000, $0x38;
	[tilespmem:$0xB900] =	vst v63  }
0xd0: {  	_ =	swait.ge [sflag:s17], $0x2000  }
0xd1: {  	[sflag:s17] =	ssyncset.done $0x0  }
0xd2: {  	s25 =	simm.s32 $0x400;
	[sflag:s17] =	ssyncadd.s32 $0xFFFFE000  }
0xd3: {  	[tilespmem:s7], [sflag:$0x4] =	stream.indirect.gather [hbm4b:s4+s30], $0x40, s25, s30, $0xb8;
	[tilespmem:$0xB900] =	vst v63  }
0xd4: {  	_ =	swait.ge [sflag:s0], $0x2000  }
0xd5: {  	[sflag:s0] =	ssyncset.done $0x0  }
0xd6: {  	s18 =	simm.s32 $0xA00;
	s23 =	rddreg [dreg:$0x16];
	[sflag:s0] =	ssyncadd.s32 $0xFFFFE000  }
0xd7: {  	[hbm4b:s23+s2] =	stream.linear.scatter [tilespmem:s9], [sflag:$0xA], $0x2000, $0x38;
	[tilespmem:$0xB900] =	vst v63  }
0xd8: {  	s19 =	sadd.s32 $0x1400, s28;
	s20 =	sadd.s32 $0x1400, s20;
	_ =	swait.ge [sflag:s6], $0x2000  }
0xd9: {  	s22 =	sadd.s32 $0x1400, s26;
	s24 =	simm.s32 $0x480;
	[sflag:s6] =	ssyncset.done $0x0  }
0xda: {  	s21 =	sadd.s32 $0x1400, s21;
	s23 =	sadd.s32 $0x1400, s23;
	[sflag:s6] =	ssyncadd.s32 $0xFFFFE000  }
.LBB2_4:
0xdb: {  	[tilespmem:s9], [sflag:$0x5] =	stream.indirect.gather [hbm4b:s4+s30], $0x40, s24, s30, $0xb8;
	[tilespmem:$0xB900] =	vst v63  }
0xdc: {  	s24 =	smov.u32 s18  }
0xdd: {  	p0 =	sne.s32 s18, $0x1400;
	s18 =	sadd.s32 $0xA00, s18;
	_ =	swait.ge [sflag:s10], $0x2000  }
0xde: {  	[sflag:s10] =	ssyncset.done $0x0  }
0xdf: {  	[sflag:s10] =	ssyncadd.s32 $0xFFFFE000  }
0xe0: {  	[hbm4b:s20+s2] =	stream.linear.scatter [tilespmem:s31], [sflag:$0x6], $0x2000, $0x38;
	[tilespmem:$0xB900] =	vst v63  }
0xe1: {  	_ =	swait.ge [sflag:s11], $0x2000  }
0xe2: {  	s24 =	sshra.s32 s24, $0x2;
	[sflag:s11] =	ssyncset.done $0x0  }
0xe3: {  	s25 =	sadd.s32 $0x280, s24;
	[sflag:s11] =	ssyncadd.s32 $0xFFFFE000  }
0xe4: {  	[tilespmem:s31], [sflag:$0x1] =	stream.indirect.gather [hbm4b:s4+s30], $0x40, s25, s30, $0xb8;
	[tilespmem:$0xB900] =	vst v63  }
0xe5: {  	_ =	swait.ge [sflag:s12], $0x2000  }
0xe6: {  	[sflag:s12] =	ssyncset.done $0x0  }
0xe7: {  	[sflag:s12] =	ssyncadd.s32 $0xFFFFE000  }
0xe8: {  	[hbm4b:s19+s2] =	stream.linear.scatter [tilespmem:s1], [sflag:$0x7], $0x2000, $0x38;
	[tilespmem:$0xB900] =	vst v63  }
0xe9: {  	_ =	swait.ge [sflag:s13], $0x2000  }
0xea: {  	[sflag:s13] =	ssyncset.done $0x0  }
0xeb: {  	s25 =	sadd.s32 $0x300, s24;
	[sflag:s13] =	ssyncadd.s32 $0xFFFFE000  }
0xec: {  	[tilespmem:s1], [sflag:$0x2] =	stream.indirect.gather [hbm4b:s4+s30], $0x40, s25, s30, $0xb8;
	[tilespmem:$0xB900] =	vst v63  }
0xed: {  	_ =	swait.ge [sflag:s14], $0x2000  }
0xee: {  	[sflag:s14] =	ssyncset.done $0x0  }
0xef: {  	[sflag:s14] =	ssyncadd.s32 $0xFFFFE000  }
0xf0: {  	[hbm4b:s22+s2] =	stream.linear.scatter [tilespmem:s5], [sflag:$0x8], $0x2000, $0x38;
	[tilespmem:$0xB900] =	vst v63  }
0xf1: {  	_ =	swait.ge [sflag:s15], $0x2000  }
0xf2: {  	[sflag:s15] =	ssyncset.done $0x0  }
0xf3: {  	s25 =	sadd.s32 $0x380, s24;
	[sflag:s15] =	ssyncadd.s32 $0xFFFFE000  }
0xf4: {  	[tilespmem:s5], [sflag:$0x3] =	stream.indirect.gather [hbm4b:s4+s30], $0x40, s25, s30, $0xb8;
	[tilespmem:$0xB900] =	vst v63  }
0xf5: {  	_ =	swait.ge [sflag:s16], $0x2000  }
0xf6: {  	[sflag:s16] =	ssyncset.done $0x0  }
0xf7: {  	[sflag:s16] =	ssyncadd.s32 $0xFFFFE000  }
0xf8: {  	[hbm4b:s21+s2] =	stream.linear.scatter [tilespmem:s7], [sflag:$0x9], $0x2000, $0x38;
	[tilespmem:$0xB900] =	vst v63  }
0xf9: {  	_ =	swait.ge [sflag:s17], $0x2000  }
0xfa: {  	[sflag:s17] =	ssyncset.done $0x0  }
0xfb: {  	s25 =	sadd.s32 $0x400, s24;
	[sflag:s17] =	ssyncadd.s32 $0xFFFFE000  }
0xfc: {  	[tilespmem:s7], [sflag:$0x4] =	stream.indirect.gather [hbm4b:s4+s30], $0x40, s25, s30, $0xb8;
	[tilespmem:$0xB900] =	vst v63  }
0xfd: {  	_ =	swait.ge [sflag:s0], $0x2000  }
0xfe: {  	[sflag:s0] =	ssyncset.done $0x0  }
.Ltmp1:
0xff: {  	[sflag:s0] =	ssyncadd.s32 $0xFFFFE000;
	(pc) =	sbr.rel @p0 .LBB2_4-.Ltmp1, $4  }
0x100: {  	[hbm4b:s23+s2] =	stream.linear.scatter [tilespmem:s9], [sflag:$0xA], $0x2000, $0x38;
	[tilespmem:$0xB900] =	vst v63  }
0x101: {  	s20 =	sadd.s32 $0x1400, s20;
	s19 =	sadd.s32 $0x1400, s19;
	_ =	swait.ge [sflag:s6], $0x2000  }
0x102: {  	s22 =	sadd.s32 $0x1400, s22;
	s21 =	sadd.s32 $0x1400, s21;
	[sflag:s6] =	ssyncset.done $0x0  }
0x103: {  	s24 =	sadd.s32 $0x480, s24;
	s23 =	sadd.s32 $0x1400, s23;
	[sflag:s6] =	ssyncadd.s32 $0xFFFFE000  }
0x104: {  	[tilespmem:s9], [sflag:$0x5] =	stream.indirect.gather [hbm4b:s4+s30], $0x40, s24, s30, $0xb8;
	[tilespmem:$0xB900] =	vst v63  }
0x105: {  	_ =	swait.ge [sflag:s10], $0x2000  }
0x106: {  	[sflag:s10] =	ssyncset.done $0x0  }
0x107: {  	s18 =	rddreg [dreg:$0xa];
	[sflag:s10] =	ssyncadd.s32 $0xFFFFE000  }
0x108: {  	[hbm4b:s18+s2] =	stream.linear.scatter [tilespmem:s31], [sflag:$0x6], $0x2000, $0x38;
	[tilespmem:$0xB900] =	vst v63  }
0x109: {  	_ =	swait.ge [sflag:s11], $0x2000  }
0x10a: {  	[sflag:s11] =	ssyncset.done $0x0  }
0x10b: {  	[sflag:s11] =	ssyncadd.s32 $0xFFFFE000  }
0x10c: {  	_ =	swait.ge [sflag:s12], $0x2000  }
0x10d: {  	[sflag:s12] =	ssyncset.done $0x0  }
0x10e: {  	s21 =	rddreg [dreg:$0xb];
	[sflag:s12] =	ssyncadd.s32 $0xFFFFE000  }
0x10f: {  	[hbm4b:s21+s2] =	stream.linear.scatter [tilespmem:s1], [sflag:$0x7], $0x2000, $0x38;
	[tilespmem:$0xB900] =	vst v63  }
0x110: {  	_ =	swait.ge [sflag:s13], $0x2000  }
0x111: {  	[sflag:s13] =	ssyncset.done $0x0  }
0x112: {  	[sflag:s13] =	ssyncadd.s32 $0xFFFFE000  }
0x113: {  	_ =	swait.ge [sflag:s14], $0x2000  }
0x114: {  	[sflag:s14] =	ssyncset.done $0x0  }
0x115: {  	s22 =	rddreg [dreg:$0xc];
	[sflag:s14] =	ssyncadd.s32 $0xFFFFE000  }
0x116: {  	[hbm4b:s22+s2] =	stream.linear.scatter [tilespmem:s5], [sflag:$0x8], $0x2000, $0x38;
	[tilespmem:$0xB900] =	vst v63  }
0x117: {  	_ =	swait.ge [sflag:s15], $0x2000  }
0x118: {  	[sflag:s15] =	ssyncset.done $0x0  }
0x119: {  	[sflag:s15] =	ssyncadd.s32 $0xFFFFE000  }
0x11a: {  	_ =	swait.ge [sflag:s16], $0x2000  }
0x11b: {  	[sflag:s16] =	ssyncset.done $0x0  }
0x11c: {  	s23 =	rddreg [dreg:$0xd];
	[sflag:s16] =	ssyncadd.s32 $0xFFFFE000  }
0x11d: {  	[hbm4b:s23+s2] =	stream.linear.scatter [tilespmem:s7], [sflag:$0x9], $0x2000, $0x38;
	[tilespmem:$0xB900] =	vst v63  }
0x11e: {  	_ =	swait.ge [sflag:s17], $0x2000  }
0x11f: {  	[sflag:s17] =	ssyncset.done $0x0  }
0x120: {  	[sflag:s17] =	ssyncadd.s32 $0xFFFFE000  }
0x121: {  	_ =	swait.ge [sflag:s0], $0x2000  }
0x122: {  	[sflag:s0] =	ssyncset.done $0x0  }
0x123: {  	s24 =	rddreg [dreg:$0xe];
	[sflag:s0] =	ssyncadd.s32 $0xFFFFE000  }
0x124: {  	[hbm4b:s24+s2] =	stream.linear.scatter [tilespmem:s9], [sflag:$0xA], $0x2000, $0x38;
	[tilespmem:$0xB900] =	vst v63  }
0x125: {  	_ =	swait.ge [sflag:s6], $0x2000  }
0x126: {  	s8 =	sadd.s32 $0x1, s8;
	s25 =	rddreg [dreg:$0xf]  }
0x127: {  	p0 =	sne.s32 s8, s25  }
.Ltmp2:
0x128: {  	_ = 	snop;
	(pc) =	sbr.rel @p0 .LBB2_1-.Ltmp2, $3  }
0x129: {  	_ =	sdelay $0x1  }
0x12a: {  	[sflag:s6] =	ssyncset.done $0x0  }
0x12b: {  	[sflag:s6] =	ssyncadd.s32 $0xFFFFE000  }
0x12c: {  	_ =	sfence.sel $0x180000  }
0x12d: {  	[bflag:$0x0] =	sbarrier.arrive $0xFFFF  }
0x12e: {  	_ =	strace $0x90000047  }
0x12f: {  	s0 =	stileid.u32;
	[bflag:$0x2] =	sbarrier.arrive $0xFFFF  }
0x130: {  	p0 =	sne.s32 s0, $0x0;
	s0 =	rddreg [dreg:$0x2]  }
0x131: {  	s0 =	sadd.s32 @!p0 $0x100000, s0  }
0x132: {  	[sflag:s0] =	ssyncadd.tile.s32 @!p0 $0x1;
	_ =	shalt  }
.Lfunc_end2:
_tile_overlayer_lowered:
.L_overlay_start_2:
0x133: {  	(tag) =	ssettag $0x2  }
0x134: {  	s0 =	rddreg [dreg:$0x0];
	s2 =	stileid.u32  }
0x135: {  	s1 =	rddreg [dreg:$0x1];
	p0 =	sne.s32 s2, $0x0  }
0x136: {  	s3 =	rddreg [dreg:$0x2];
	[bflag:$0x3] =	sbarrier.arrive $0xFFFF;
	s2 =	simm.s32 @!p0 $0x1C0B  }
0x137: {  	[timem:s3], [sflag:s2] =	dma.local @!p0 [hbm:s0], s1  }
0x138: {  	s0 =	simm.s32 @!p0 $0xB  }
0x139: {  	_ =	swait.ge @!p0 [sflag:s0], s1  }
0x13a: {  	s1 =	ssub.s32 @!p0 $0x0, s1;
	[sflag:s0] =	ssyncset.done @!p0 $0x0  }
0x13b: {  	[sflag:s0] =	ssyncadd.s32 @!p0 s1  }
0x13c: {  	[bflag:$0x3] =	sbarrier.arrive $0xFFFF  }
0x13d: {  	_ =	shalt  }

</sc_bundles>
